<compile_context>
chip_gen: v7x
topology: tpu7x:2x2x1
jax: 0.10.2.dev20260603
libtpu: 0.0.44.dev20260713+nightly
codegen_flags: <defaults>
</compile_context>

<pallas_src>
import functools

import jax
import jax.numpy as jnp
from jax import lax
from jax.experimental import pallas as pl
from jax.experimental.pallas import tpu as pltpu
from jax.experimental.pallas import tpu_sc as plsc

N_PAPER = 6000
N_AUTHOR = 4000
N = N_PAPER + N_AUTHOR
E = 320000
D = 128
NR = 16
NP = 10240
ROWS = E // D
K = 4
NSC = ROWS // K
KE = 1
CHUNK = KE * D
NSCE = ROWS // KE
NTILE = 16
NPT = NP // NTILE



def _deg_body(sd2, ones_hbm, zeros_hbm, deg_out, dacc, idx_v, ones_v):
    cid = lax.axis_index("c")
    sid = lax.axis_index("s")
    pltpu.sync_copy(ones_hbm, ones_v)
    rlo = sid * NPT
    pltpu.sync_copy(zeros_hbm, dacc.at[pl.ds(rlo, NPT)])
    plsc.subcore_barrier()

    def body(it, carry):
        sc = sid + it * NTILE

        @pl.when(sc < ROWS)
        def _go():
            pltpu.sync_copy(sd2.at[cid, sc], idx_v)
            pltpu.sync_copy(ones_v, dacc.at[idx_v], add=True)
        return carry

    lax.fori_loop(0, (ROWS + NTILE - 1) // NTILE, body, None)
    plsc.subcore_barrier()
    pltpu.sync_copy(dacc.at[pl.ds(rlo, NPT)],
                    deg_out.at[cid, pl.ds(rlo, NPT)])


def _sc_degrees(sd2, ones_hbm, zeros_hbm):
    mesh = plsc.VectorSubcoreMesh(core_axis_name="c", subcore_axis_name="s")
    f = pl.kernel(
        _deg_body,
        mesh=mesh,
        out_type=[jax.ShapeDtypeStruct((2, NP, D), jnp.float32)],
        scratch_types=[
            pltpu.VMEM_SHARED((NP, D), jnp.float32),
            pltpu.VMEM((D,), jnp.int32),
            pltpu.VMEM((D, D), jnp.float32),
        ],
        name="sc_degrees",
    )
    return f(sd2, ones_hbm, zeros_hbm)[0]



def _edge_body(T, ssrc, widx2, zeros_hbm, aw,
               acc, sidx, widx, rows, gsem):
    cid = lax.axis_index("c")
    sid = lax.axis_index("s")

    rlo = sid * NPT
    pltpu.sync_copy(zeros_hbm, acc.at[pl.ds(rlo, NPT)])
    plsc.subcore_barrier()

    def body(it, carry):
        sc = sid + it * NTILE

        @pl.when(sc < ROWS)
        def _go():
            pltpu.sync_copy(ssrc.at[cid, sc], sidx)
            pltpu.sync_copy(widx2.at[cid, sc], widx)
            pltpu.async_copy(T.at[widx], rows, gsem).wait()
            pltpu.sync_copy(rows, acc.at[sidx], add=True)
        return carry

    lax.fori_loop(0, (ROWS + NTILE - 1) // NTILE, body, None)
    plsc.subcore_barrier()
    pltpu.sync_copy(acc.at[pl.ds(rlo, NPT)], aw.at[cid, pl.ds(rlo, NPT)])


def _sc_edge_pass(T, ssrc, widx2, zeros_hbm):
    mesh = plsc.VectorSubcoreMesh(core_axis_name="c", subcore_axis_name="s")
    f = pl.kernel(
        _edge_body,
        mesh=mesh,
        out_type=[jax.ShapeDtypeStruct((2, NP, D), jnp.float32)],
        scratch_types=[
            pltpu.VMEM_SHARED((NP, D), jnp.float32),
            pltpu.VMEM((D,), jnp.int32),
            pltpu.VMEM((D,), jnp.int32),
            pltpu.VMEM((D, D), jnp.float32),
            pltpu.SemaphoreType.DMA,
        ],
        name="sc_edge_pass",
    )
    return f(T, ssrc, widx2, zeros_hbm)[0]



_BR = 200
_NB = N // _BR
_NBP = N_PAPER // _BR


def _prep_body(xp_ref, ea_ref, td_ref, sd_ref, Wp_ref, bp_ref,
               h_ref, p_ref, q_ref, tinv_ref, sinv_ref):
    i = pl.program_id(0)
    td = td_ref[...][:, 0:1]
    sd = sd_ref[...][:, 0:1]
    tinv = jnp.where(td > 0, lax.rsqrt(jnp.maximum(td, 1e-12)), 0.0)
    sinv = jnp.where(sd > 0, lax.rsqrt(jnp.maximum(sd, 1e-12)), 0.0)
    hp = lax.dot_general(xp_ref[...], Wp_ref[...],
                         (((1,), (1,)), ((), ())),
                         preferred_element_type=jnp.float32) + bp_ref[...]
    h = jnp.where(i < _NBP, hp, ea_ref[...])
    h_ref[...] = h
    p_ref[...] = sinv * h
    q_ref[...] = tinv * h
    tinv_ref[...] = tinv
    sinv_ref[...] = sinv


def _tc_prep(x_paper, emb_author, tdeg16, sdeg16, W_paper, b_paper):
    return pl.pallas_call(
        _prep_body,
        grid=(_NB,),
        in_specs=[
            pl.BlockSpec((_BR, D), lambda i: (jnp.minimum(i, _NBP - 1), 0)),
            pl.BlockSpec((_BR, D), lambda i: (jnp.maximum(i - _NBP, 0), 0)),
            pl.BlockSpec((_BR, D), lambda i: (i, 0)),
            pl.BlockSpec((_BR, D), lambda i: (i, 0)),
            pl.BlockSpec((D, D), lambda i: (0, 0)),
            pl.BlockSpec((1, D), lambda i: (0, 0)),
        ],
        out_specs=[
            pl.BlockSpec((_BR, D), lambda i: (i, 0)),
            pl.BlockSpec((_BR, D), lambda i: (i, 0)),
            pl.BlockSpec((_BR, D), lambda i: (i, 0)),
            pl.BlockSpec((_BR, 1), lambda i: (i, 0)),
            pl.BlockSpec((_BR, 1), lambda i: (i, 0)),
        ],
        out_shape=[jax.ShapeDtypeStruct((N, D), jnp.float32),
                   jax.ShapeDtypeStruct((NP, D), jnp.float32),
                   jax.ShapeDtypeStruct((NP, D), jnp.float32),
                   jax.ShapeDtypeStruct((N, 1), jnp.float32),
                   jax.ShapeDtypeStruct((N, 1), jnp.float32)],
        name="tc_prep",
    )(x_paper, emb_author, tdeg16, sdeg16, W_paper, b_paper)



_RBR = 256


def _rw_body(s_ref, pq_ref, re_ref, rw_ref):
    rw_ref[...] = (pq_ref[...].reshape(_RBR, 1, D) -
                   s_ref[...].reshape(_RBR, 1, 1) * re_ref[...].reshape(1, NR, D))


def _tc_table(st2col, PQ, rel_emb):
    return pl.pallas_call(
        _rw_body,
        grid=(2 * NP // _RBR,),
        in_specs=[
            pl.BlockSpec((_RBR, 1), lambda i: (i, 0)),
            pl.BlockSpec((_RBR, D), lambda i: (i, 0)),
            pl.BlockSpec((NR, D), lambda i: (0, 0)),
        ],
        out_specs=pl.BlockSpec((_RBR, NR, D), lambda i: (i, 0, 0)),
        out_shape=jax.ShapeDtypeStruct((2 * NP, NR, D), jnp.float32),
        name="tc_table",
    )(st2col, PQ, rel_emb)



def _dense_body(want_pq, bo_ref, bi_ref, h_ref,
                tinv_ref, sinv_ref, Wo_ref, Wi_ref, Wl_ref,
                lr_ref, b_ref, g_ref, be_ref, *out_refs):
    tinv = tinv_ref[...]
    sinv = sinv_ref[...]
    go = tinv * lax.dot_general(bo_ref[...], Wo_ref[...],
                                (((1,), (1,)), ((), ())),
                                preferred_element_type=jnp.float32)
    gi = sinv * lax.dot_general(bi_ref[...], Wi_ref[...],
                                (((1,), (1,)), ((), ())),
                                preferred_element_type=jnp.float32)
    lo = lax.dot_general(h_ref[...] - lr_ref[...], Wl_ref[...],
                         (((1,), (1,)), ((), ())),
                         preferred_element_type=jnp.float32)
    h = (go + gi + lo) * (1.0 / 3.0) + b_ref[...]
    h = jnp.maximum(h, 0.0)
    m = jnp.mean(h, axis=1, keepdims=True)
    v = jnp.mean((h - m) * (h - m), axis=1, keepdims=True)
    hn = (h - m) * lax.rsqrt(v + 1e-5) * g_ref[...] + be_ref[...]
    out_refs[0][...] = hn
    if want_pq:
        out_refs[1][...] = sinv * hn
        out_refs[2][...] = tinv * hn


def _tc_dense(want_pq, b_out, b_in, H, tinv1, sinv1,
              W_out, W_in, W_loop, loop_rel, bias, ln_g, ln_b):
    n_out = 3 if want_pq else 1
    return pl.pallas_call(
        functools.partial(_dense_body, want_pq),
        grid=(_NB,),
        in_specs=[
            pl.BlockSpec((_BR, D), lambda i: (i, 0)),
            pl.BlockSpec((_BR, D), lambda i: (i, 0)),
            pl.BlockSpec((_BR, D), lambda i: (i, 0)),
            pl.BlockSpec((_BR, 1), lambda i: (i, 0)),
            pl.BlockSpec((_BR, 1), lambda i: (i, 0)),
            pl.BlockSpec((D, D), lambda i: (0, 0)),
            pl.BlockSpec((D, D), lambda i: (0, 0)),
            pl.BlockSpec((D, D), lambda i: (0, 0)),
            pl.BlockSpec((1, D), lambda i: (0, 0)),
            pl.BlockSpec((1, D), lambda i: (0, 0)),
            pl.BlockSpec((1, D), lambda i: (0, 0)),
            pl.BlockSpec((1, D), lambda i: (0, 0)),
        ],
        out_specs=[pl.BlockSpec((_BR, D), lambda i: (i, 0))] * n_out,
        out_shape=([jax.ShapeDtypeStruct((N, D), jnp.float32)] +
                   [jax.ShapeDtypeStruct((NP, D), jnp.float32)] * (n_out - 1)),
        name="tc_dense",
    )(b_out, b_in, H, tinv1, sinv1,
      W_out, W_in, W_loop, loop_rel, bias, ln_g, ln_b)



def kernel(x_paper, src, rel, dst, W_paper, b_paper, emb_author,
           rel_emb_0, rel_emb_1,
           W_loop_0, W_in_0, W_out_0, loop_rel_0, bias_0, ln_g_0, ln_b_0,
           W_loop_1, W_in_1, W_out_1, loop_rel_1, bias_1, ln_g_1, ln_b_1):
    src2d = src.reshape(ROWS, D)
    dst2d = dst.reshape(ROWS, D)
    rel2d = rel.reshape(ROWS, D)
    gsrc = jnp.stack([src2d, dst2d + NP])
    ssrc = jnp.stack([dst2d, src2d])
    widx2 = gsrc * NR + rel2d[None, :, :]
    ones_hbm = jnp.ones((D, D), jnp.float32)
    zeros_hbm = jnp.zeros((NPT, D), jnp.float32)

    deg = _sc_degrees(ssrc, ones_hbm, zeros_hbm)
    tdeg16 = deg[0]
    sdeg16 = deg[1]
    H0, P0, Q0, tinv1, sinv1 = _tc_prep(
        x_paper, emb_author, tdeg16, sdeg16, W_paper, b_paper.reshape(1, D))
    st2 = (jnp.zeros((2, NP), jnp.float32)
           .at[0, :N].set(sinv1.reshape(N))
           .at[1, :N].set(tinv1.reshape(N))
           .reshape(2 * NP, 1))
    PQ0 = jnp.concatenate([P0, Q0], axis=0)
    T0 = _tc_table(st2, PQ0, rel_emb_0).reshape(2 * NP * NR, D)
    aw0 = _sc_edge_pass(T0, ssrc, widx2, zeros_hbm)
    H1, P1, Q1 = _tc_dense(True, aw0[0], aw0[1], H0, tinv1, sinv1,
                           W_out_0, W_in_0, W_loop_0,
                           loop_rel_0, bias_0.reshape(1, D),
                           ln_g_0.reshape(1, D), ln_b_0.reshape(1, D))

    PQ1 = jnp.concatenate([P1, Q1], axis=0)
    T1 = _tc_table(st2, PQ1, rel_emb_1).reshape(2 * NP * NR, D)
    aw1 = _sc_edge_pass(T1, ssrc, widx2, zeros_hbm)
    (H2,) = _tc_dense(False, aw1[0], aw1[1], H1, tinv1, sinv1,
                      W_out_1, W_in_1, W_loop_1,
                      loop_rel_1, bias_1.reshape(1, D),
                      ln_g_1.reshape(1, D), ln_b_1.reshape(1, D))
    return H2

# --- scband reference (transcript-rebuilt; emitter-appended) ---
"""Pipeline reference for scband-heterogeneous-comp-gcn-88261577933338 (READ-ONLY COPY).

The authoritative reference and input builder live on the scoring server;
editing this copy changes nothing except your own understanding.
"""

import jax, jax.numpy as jnp
import numpy as np

N_PAPER = 6000
N_AUTHOR = 4000
N = N_PAPER + N_AUTHOR
E = 320000
D = 128
NREL = 8


def setup_inputs(seed: int = 0) -> dict:
    key = jax.random.key(seed)
    ks = jax.random.split(key, 32)
    g = 1.0 / np.sqrt(D)
    inp = {}
    inp['x_paper'] = jax.random.normal(ks[0], (N_PAPER, D), dtype=jnp.float32)
    inp['src'] = jax.random.randint(ks[1], (E,), 0, N, dtype=jnp.int32)
    inp['rel'] = jax.random.randint(ks[2], (E,), 0, 2 * NREL, dtype=jnp.int32)
    inp['dst'] = jax.random.randint(ks[3], (E,), 0, N, dtype=jnp.int32)
    # type-specific input projections / embeddings
    inp['W_paper'] = jax.random.normal(ks[4], (D, D), dtype=jnp.float32) * g
    inp['b_paper'] = jnp.zeros((D,), dtype=jnp.float32)
    inp['emb_author'] = jax.random.normal(ks[5], (N_AUTHOR, D), dtype=jnp.float32) * 0.02
    # per-layer relation embeddings (2*num_relations rows: in/out directions)
    inp['rel_emb_0'] = jax.random.normal(ks[6], (2 * NREL, D), dtype=jnp.float32) * g
    inp['rel_emb_1'] = jax.random.normal(ks[7], (2 * NREL, D), dtype=jnp.float32) * g
    # CompGCNConv layer 0 params
    inp['W_loop_0'] = jax.random.normal(ks[8], (D, D), dtype=jnp.float32) * g
    inp['W_in_0'] = jax.random.normal(ks[9], (D, D), dtype=jnp.float32) * g
    inp['W_out_0'] = jax.random.normal(ks[10], (D, D), dtype=jnp.float32) * g
    inp['loop_rel_0'] = jax.random.normal(ks[11], (1, D), dtype=jnp.float32) * g
    inp['bias_0'] = jnp.zeros((D,), dtype=jnp.float32)
    inp['ln_g_0'] = jnp.ones((D,), dtype=jnp.float32)
    inp['ln_b_0'] = jnp.zeros((D,), dtype=jnp.float32)
    # CompGCNConv layer 1 params
    inp['W_loop_1'] = jax.random.normal(ks[12], (D, D), dtype=jnp.float32) * g
    inp['W_in_1'] = jax.random.normal(ks[13], (D, D), dtype=jnp.float32) * g
    inp['W_out_1'] = jax.random.normal(ks[14], (D, D), dtype=jnp.float32) * g
    inp['loop_rel_1'] = jax.random.normal(ks[15], (1, D), dtype=jnp.float32) * g
    inp['bias_1'] = jnp.zeros((D,), dtype=jnp.float32)
    inp['ln_g_1'] = jnp.ones((D,), dtype=jnp.float32)
    inp['ln_b_1'] = jnp.zeros((D,), dtype=jnp.float32)
    return inp


def _comp_gcn_conv(node_emb, rel_e, s, r, t, Wl, Wi, Wo, loop_rel, bias):
    n = node_emb.shape[0]
    ones = jnp.ones(s.shape[0], dtype=jnp.float32)
    t_deg = jax.ops.segment_sum(ones, t, num_segments=n)
    t_inv = jnp.where(t_deg > 0, jnp.power(jnp.maximum(t_deg, 1e-12), -0.5), 0.0)
    s_deg = jax.ops.segment_sum(ones, s, num_segments=n)
    s_inv = jnp.where(s_deg > 0, jnp.power(jnp.maximum(s_deg, 1e-12), -0.5), 0.0)
    # out-direction messages: comp_fn='sub'
    comp_out = node_emb[s] - rel_e[r]
    msg_out = comp_out @ Wo.T
    msg_out = msg_out * s_inv[s][:, None]
    agg_out = jax.ops.segment_sum(msg_out, t, num_segments=n) * t_inv[:, None]
    # in-direction messages
    comp_in = node_emb[t] - rel_e[r]
    msg_in = comp_in @ Wi.T
    msg_in = msg_in * t_inv[t][:, None]
    agg_in = jax.ops.segment_sum(msg_in, s, num_segments=n) * s_inv[:, None]
    # self-loop
    comp_loop = node_emb - loop_rel
    msg_loop = comp_loop @ Wl.T
    out = (agg_out + agg_in + msg_loop) / 3.0 + bias
    return out


def _layer_norm(x, g, b):
    m = jnp.mean(x, axis=-1, keepdims=True)
    v = jnp.var(x, axis=-1, keepdims=True)
    return (x - m) / jnp.sqrt(v + 1e-5) * g + b


def reference(x_paper, src, rel, dst, W_paper, b_paper, emb_author,
              rel_emb_0, rel_emb_1,
              W_loop_0, W_in_0, W_out_0, loop_rel_0, bias_0, ln_g_0, ln_b_0,
              W_loop_1, W_in_1, W_out_1, loop_rel_1, bias_1, ln_g_1, ln_b_1):
    # type-specific projection/embedding (dropout is identity in eval mode)
    paper_emb = x_paper @ W_paper.T + b_paper
    author_emb = emb_author
    node_emb = jnp.concatenate([paper_emb, author_emb], axis=0)  # offsets: paper=0, author=N_PAPER
    h = _comp_gcn_conv(node_emb, rel_emb_0, src, rel, dst, W_loop_0, W_in_0, W_out_0, loop_rel_0, bias_0)
    h = jax.nn.relu(h)
    h = _layer_norm(h, ln_g_0, ln_b_0)
    h = _comp_gcn_conv(h, rel_emb_1, src, rel, dst, W_loop_1, W_in_1, W_out_1, loop_rel_1, bias_1)
    h = jax.nn.relu(h)
    h = _layer_norm(h, ln_g_1, ln_b_1)
    return h

if __name__ == "__main__":
    import jax
    _d = setup_inputs()
    print(jax.jit(kernel)(*tuple(_d.values())))

</pallas_src>

<mosaic_0001>
#map = affine_map<(d0, d1) -> (0, 0, 0)>
#map1 = affine_map<(d0, d1) -> (0, 0)>
module attributes {stable_mosaic.version = 14 : i64} {
  func.func @sc_degrees(%arg0: i32, %arg1: i32, %arg2: memref<2x2500x128xi32, #tpu.memory_space<hbm>>, %arg3: memref<128x128xf32, #tpu.memory_space<hbm>>, %arg4: memref<640x128xf32, #tpu.memory_space<hbm>>, %arg5: memref<2x10240x128xf32, #tpu.memory_space<hbm>>, %arg6: memref<10240x128xf32, #tpu.memory_space<vmem_shared>>, %arg7: memref<128xi32, #tpu.memory_space<vmem>>, %arg8: memref<128x128xf32, #tpu.memory_space<vmem>>) attributes {dimension_semantics = [#tpu.dimension_semantics<core_parallel>, #tpu.dimension_semantics<subcore_parallel>], iteration_bounds = array<i64: 2, 16>, scalar_prefetch = 0 : i64, scratch_operands = 3 : i64, tpu.core_type = #tpu.core_type<sc_vector_subcore>, window_params = [{transform_indices = #map}, {transform_indices = #map1}, {transform_indices = #map1}, {transform_indices = #map}]} {
    "tpu.region"() ({
      %run_scoped3A = tpu.sem_alloc : memref<!tpu.dma_semaphore, #tpu.memory_space<semaphore_mem>>
      tpu.enqueue_dma source(%arg3 : memref<128x128xf32, #tpu.memory_space<hbm>>) target(%arg8 : memref<128x128xf32, #tpu.memory_space<vmem>>) target_semaphore(%run_scoped3A : memref<!tpu.dma_semaphore, #tpu.memory_space<semaphore_mem>>)
      tpu.wait_dma2 semaphore(%run_scoped3A : memref<!tpu.dma_semaphore, #tpu.memory_space<semaphore_mem>>) src(%arg3 : memref<128x128xf32, #tpu.memory_space<hbm>>) dst(%arg8 : memref<128x128xf32, #tpu.memory_space<vmem>>)
      tpu.yield
    }) : () -> ()
    %mul3A = arith.constant 640 : i32
    %mul3A_0 = arith.muli %arg1, %mul3A : i32
    "tpu.region"() ({
      %run_scoped3A = tpu.sem_alloc : memref<!tpu.dma_semaphore, #tpu.memory_space<semaphore_mem>>
      %dma_start3A = arith.constant 0 : i32
      %dma_start3A_6 = tpu.memref_slice %arg6[%mul3A_0, %dma_start3A] : memref<10240x128xf32, #tpu.memory_space<vmem_shared>> -> memref<640x128xf32, #tpu.memory_space<vmem_shared>>
      tpu.enqueue_dma source(%arg4 : memref<640x128xf32, #tpu.memory_space<hbm>>) target(%dma_start3A_6 : memref<640x128xf32, #tpu.memory_space<vmem_shared>>) target_semaphore(%run_scoped3A : memref<!tpu.dma_semaphore, #tpu.memory_space<semaphore_mem>>)
      %dma_wait3A = arith.constant 0 : i32
      %dma_wait3A_7 = tpu.memref_slice %arg6[%mul3A_0, %dma_wait3A] : memref<10240x128xf32, #tpu.memory_space<vmem_shared>> -> memref<640x128xf32, #tpu.memory_space<vmem_shared>>
      tpu.wait_dma2 semaphore(%run_scoped3A : memref<!tpu.dma_semaphore, #tpu.memory_space<semaphore_mem>>) src(%arg4 : memref<640x128xf32, #tpu.memory_space<hbm>>) dst(%dma_wait3A_7 : memref<640x128xf32, #tpu.memory_space<vmem_shared>>)
      tpu.yield
    }) : () -> ()
    %barrier3A = arith.constant 0 : index
    tpu.barrier barrier_id(%barrier3A)
    %scan3A = arith.constant 0 : i32
    %scan3A_1 = arith.constant 157 : i32
    %scan3A_2 = arith.addi %scan3A, %scan3A_1 : i32
    %scan3A_3 = arith.constant 1 : i32
    scf.for %scan3A_6 = %scan3A to %scan3A_2 step %scan3A_3  : i32 {
      %mul3A_7 = arith.constant 16 : i32
      %mul3A_8 = arith.muli %scan3A_6, %mul3A_7 : i32
      %add3A = arith.addi %arg1, %mul3A_8 : i32
      %lt3A = arith.constant 2500 : i32
      %lt3A_9 = arith.cmpi slt, %add3A, %lt3A : i32
      %convert_element_type3A = arith.extui %lt3A_9 : i1 to i32
      %cond3A = arith.constant 0 : i32
      %cond3A_10 = arith.cmpi ne, %convert_element_type3A, %cond3A : i32
      scf.if %cond3A_10 {
        "tpu.region"() ({
          %run_scoped3A = tpu.sem_alloc : memref<!tpu.dma_semaphore, #tpu.memory_space<semaphore_mem>>
          %dma_start3A = arith.constant 0 : i32
          %dma_start3A_11 = tpu.memref_slice %arg2[%arg0, %add3A, %dma_start3A] : memref<2x2500x128xi32, #tpu.memory_space<hbm>> -> memref<1x1x128xi32, #tpu.memory_space<hbm>>
          %dma_start3A_12 = tpu.memref_squeeze %dma_start3A_11 : memref<1x1x128xi32, #tpu.memory_space<hbm>> -> memref<128xi32, #tpu.memory_space<hbm>>
          %dma_start3A_13 = arith.constant 0 : i32
          %dma_start3A_14 = tpu.memref_slice %arg2[%arg0, %add3A, %dma_start3A_13] : memref<2x2500x128xi32, #tpu.memory_space<hbm>> -> memref<1x1x128xi32, #tpu.memory_space<hbm>>
          %dma_start3A_15 = tpu.memref_squeeze %dma_start3A_14 : memref<1x1x128xi32, #tpu.memory_space<hbm>> -> memref<128xi32, #tpu.memory_space<hbm>>
          tpu.enqueue_dma source(%dma_start3A_15 : memref<128xi32, #tpu.memory_space<hbm>>) target(%arg7 : memref<128xi32, #tpu.memory_space<vmem>>) target_semaphore(%run_scoped3A : memref<!tpu.dma_semaphore, #tpu.memory_space<semaphore_mem>>)
          %dma_wait3A = arith.constant 0 : i32
          %dma_wait3A_16 = tpu.memref_slice %arg2[%arg0, %add3A, %dma_wait3A] : memref<2x2500x128xi32, #tpu.memory_space<hbm>> -> memref<1x1x128xi32, #tpu.memory_space<hbm>>
          %dma_wait3A_17 = tpu.memref_squeeze %dma_wait3A_16 : memref<1x1x128xi32, #tpu.memory_space<hbm>> -> memref<128xi32, #tpu.memory_space<hbm>>
          %dma_wait3A_18 = arith.constant 0 : i32
          %dma_wait3A_19 = tpu.memref_slice %arg2[%arg0, %add3A, %dma_wait3A_18] : memref<2x2500x128xi32, #tpu.memory_space<hbm>> -> memref<1x1x128xi32, #tpu.memory_space<hbm>>
          %dma_wait3A_20 = tpu.memref_squeeze %dma_wait3A_19 : memref<1x1x128xi32, #tpu.memory_space<hbm>> -> memref<128xi32, #tpu.memory_space<hbm>>
          tpu.wait_dma2 semaphore(%run_scoped3A : memref<!tpu.dma_semaphore, #tpu.memory_space<semaphore_mem>>) src(%dma_wait3A_20 : memref<128xi32, #tpu.memory_space<hbm>>) dst(%arg7 : memref<128xi32, #tpu.memory_space<vmem>>)
          tpu.yield
        }) : () -> ()
        "tpu.region"() ({
          %run_scoped3A = tpu.sem_alloc : memref<!tpu.dma_semaphore, #tpu.memory_space<semaphore_mem>>
          %dma_start3A = arith.constant 0 : i32
          %dma_start3A_11 = arith.constant 0 : i32
          %dma_start3A_12 = tpu.memref_slice %arg6[%dma_start3A, %dma_start3A_11] : memref<10240x128xf32, #tpu.memory_space<vmem_shared>> -> memref<10240x128xf32, #tpu.memory_space<vmem_shared>>
          tpu.enqueue_indirect_dma source(%arg8 : memref<128x128xf32, #tpu.memory_space<vmem>>) target(%dma_start3A_12 : memref<10240x128xf32, #tpu.memory_space<vmem_shared>>) offsets(%arg7 : memref<128xi32, #tpu.memory_space<vmem>>) semaphore(%run_scoped3A : memref<!tpu.dma_semaphore, #tpu.memory_space<semaphore_mem>>) {add = true}
          %dma_wait3A = arith.constant 0 : i32
          %dma_wait3A_13 = arith.constant 0 : i32
          %dma_wait3A_14 = tpu.memref_slice %arg6[%dma_wait3A, %dma_wait3A_13] : memref<10240x128xf32, #tpu.memory_space<vmem_shared>> -> memref<10240x128xf32, #tpu.memory_space<vmem_shared>>
          tpu.wait_indirect_dma semaphore(%run_scoped3A : memref<!tpu.dma_semaphore, #tpu.memory_space<semaphore_mem>>) src(%arg8 : memref<128x128xf32, #tpu.memory_space<vmem>>) dst(%dma_wait3A_14 : memref<10240x128xf32, #tpu.memory_space<vmem_shared>>)
          tpu.yield
        }) : () -> ()
      } else {
      }
    }
    %scan3A_4 = arith.constant 157 : i32
    %barrier3A_5 = arith.constant 0 : index
    tpu.barrier barrier_id(%barrier3A_5)
    "tpu.region"() ({
      %run_scoped3A = tpu.sem_alloc : memref<!tpu.dma_semaphore, #tpu.memory_space<semaphore_mem>>
      %dma_start3A = arith.constant 0 : i32
      %dma_start3A_6 = tpu.memref_slice %arg5[%arg0, %mul3A_0, %dma_start3A] : memref<2x10240x128xf32, #tpu.memory_space<hbm>> -> memref<1x640x128xf32, #tpu.memory_space<hbm>>
      %dma_start3A_7 = tpu.memref_squeeze %dma_start3A_6 : memref<1x640x128xf32, #tpu.memory_space<hbm>> -> memref<640x128xf32, #tpu.memory_space<hbm>>
      %dma_start3A_8 = arith.constant 0 : i32
      %dma_start3A_9 = tpu.memref_slice %arg6[%mul3A_0, %dma_start3A_8] : memref<10240x128xf32, #tpu.memory_space<vmem_shared>> -> memref<640x128xf32, #tpu.memory_space<vmem_shared>>
      tpu.enqueue_dma source(%dma_start3A_9 : memref<640x128xf32, #tpu.memory_space<vmem_shared>>) target(%dma_start3A_7 : memref<640x128xf32, #tpu.memory_space<hbm>>) target_semaphore(%run_scoped3A : memref<!tpu.dma_semaphore, #tpu.memory_space<semaphore_mem>>)
      %dma_wait3A = arith.constant 0 : i32
      %dma_wait3A_10 = tpu.memref_slice %arg5[%arg0, %mul3A_0, %dma_wait3A] : memref<2x10240x128xf32, #tpu.memory_space<hbm>> -> memref<1x640x128xf32, #tpu.memory_space<hbm>>
      %dma_wait3A_11 = tpu.memref_squeeze %dma_wait3A_10 : memref<1x640x128xf32, #tpu.memory_space<hbm>> -> memref<640x128xf32, #tpu.memory_space<hbm>>
      %dma_wait3A_12 = arith.constant 0 : i32
      %dma_wait3A_13 = tpu.memref_slice %arg6[%mul3A_0, %dma_wait3A_12] : memref<10240x128xf32, #tpu.memory_space<vmem_shared>> -> memref<640x128xf32, #tpu.memory_space<vmem_shared>>
      tpu.wait_dma2 semaphore(%run_scoped3A : memref<!tpu.dma_semaphore, #tpu.memory_space<semaphore_mem>>) src(%dma_wait3A_13 : memref<640x128xf32, #tpu.memory_space<vmem_shared>>) dst(%dma_wait3A_11 : memref<640x128xf32, #tpu.memory_space<hbm>>)
      tpu.yield
    }) : () -> ()
    return
  }
}

#map = affine_map<(d0, d1) -> (0, 0)>
#map1 = affine_map<(d0, d1) -> (0, 0, 0)>
module attributes {stable_mosaic.version = 14 : i64} {
  func.func @sc_edge_pass(%arg0: i32, %arg1: i32, %arg2: memref<327680x128xf32, #tpu.memory_space<hbm>>, %arg3: memref<2x2500x128xi32, #tpu.memory_space<hbm>>, %arg4: memref<2x2500x128xi32, #tpu.memory_space<hbm>>, %arg5: memref<640x128xf32, #tpu.memory_space<hbm>>, %arg6: memref<2x10240x128xf32, #tpu.memory_space<hbm>>, %arg7: memref<10240x128xf32, #tpu.memory_space<vmem_shared>>, %arg8: memref<128xi32, #tpu.memory_space<vmem>>, %arg9: memref<128xi32, #tpu.memory_space<vmem>>, %arg10: memref<128x128xf32, #tpu.memory_space<vmem>>, %arg11: memref<!tpu.dma_semaphore, #tpu.memory_space<semaphore_mem>>) attributes {dimension_semantics = [#tpu.dimension_semantics<core_parallel>, #tpu.dimension_semantics<subcore_parallel>], iteration_bounds = array<i64: 2, 16>, scalar_prefetch = 0 : i64, scratch_operands = 5 : i64, tpu.core_type = #tpu.core_type<sc_vector_subcore>, window_params = [{transform_indices = #map}, {transform_indices = #map1}, {transform_indices = #map1}, {transform_indices = #map}, {transform_indices = #map1}]} {
    %mul3A = arith.constant 640 : i32
    %mul3A_0 = arith.muli %arg1, %mul3A : i32
    "tpu.region"() ({
      %run_scoped3A = tpu.sem_alloc : memref<!tpu.dma_semaphore, #tpu.memory_space<semaphore_mem>>
      %dma_start3A = arith.constant 0 : i32
      %dma_start3A_6 = tpu.memref_slice %arg7[%mul3A_0, %dma_start3A] : memref<10240x128xf32, #tpu.memory_space<vmem_shared>> -> memref<640x128xf32, #tpu.memory_space<vmem_shared>>
      tpu.enqueue_dma source(%arg5 : memref<640x128xf32, #tpu.memory_space<hbm>>) target(%dma_start3A_6 : memref<640x128xf32, #tpu.memory_space<vmem_shared>>) target_semaphore(%run_scoped3A : memref<!tpu.dma_semaphore, #tpu.memory_space<semaphore_mem>>)
      %dma_wait3A = arith.constant 0 : i32
      %dma_wait3A_7 = tpu.memref_slice %arg7[%mul3A_0, %dma_wait3A] : memref<10240x128xf32, #tpu.memory_space<vmem_shared>> -> memref<640x128xf32, #tpu.memory_space<vmem_shared>>
      tpu.wait_dma2 semaphore(%run_scoped3A : memref<!tpu.dma_semaphore, #tpu.memory_space<semaphore_mem>>) src(%arg5 : memref<640x128xf32, #tpu.memory_space<hbm>>) dst(%dma_wait3A_7 : memref<640x128xf32, #tpu.memory_space<vmem_shared>>)
      tpu.yield
    }) : () -> ()
    %barrier3A = arith.constant 0 : index
    tpu.barrier barrier_id(%barrier3A)
    %scan3A = arith.constant 0 : i32
    %scan3A_1 = arith.constant 157 : i32
    %scan3A_2 = arith.addi %scan3A, %scan3A_1 : i32
    %scan3A_3 = arith.constant 1 : i32
    scf.for %scan3A_6 = %scan3A to %scan3A_2 step %scan3A_3  : i32 {
      %mul3A_7 = arith.constant 16 : i32
      %mul3A_8 = arith.muli %scan3A_6, %mul3A_7 : i32
      %add3A = arith.addi %arg1, %mul3A_8 : i32
      %lt3A = arith.constant 2500 : i32
      %lt3A_9 = arith.cmpi slt, %add3A, %lt3A : i32
      %convert_element_type3A = arith.extui %lt3A_9 : i1 to i32
      %cond3A = arith.constant 0 : i32
      %cond3A_10 = arith.cmpi ne, %convert_element_type3A, %cond3A : i32
      scf.if %cond3A_10 {
        "tpu.region"() ({
          %run_scoped3A = tpu.sem_alloc : memref<!tpu.dma_semaphore, #tpu.memory_space<semaphore_mem>>
          %dma_start3A_15 = arith.constant 0 : i32
          %dma_start3A_16 = tpu.memref_slice %arg3[%arg0, %add3A, %dma_start3A_15] : memref<2x2500x128xi32, #tpu.memory_space<hbm>> -> memref<1x1x128xi32, #tpu.memory_space<hbm>>
          %dma_start3A_17 = tpu.memref_squeeze %dma_start3A_16 : memref<1x1x128xi32, #tpu.memory_space<hbm>> -> memref<128xi32, #tpu.memory_space<hbm>>
          %dma_start3A_18 = arith.constant 0 : i32
          %dma_start3A_19 = tpu.memref_slice %arg3[%arg0, %add3A, %dma_start3A_18] : memref<2x2500x128xi32, #tpu.memory_space<hbm>> -> memref<1x1x128xi32, #tpu.memory_space<hbm>>
          %dma_start3A_20 = tpu.memref_squeeze %dma_start3A_19 : memref<1x1x128xi32, #tpu.memory_space<hbm>> -> memref<128xi32, #tpu.memory_space<hbm>>
          tpu.enqueue_dma source(%dma_start3A_20 : memref<128xi32, #tpu.memory_space<hbm>>) target(%arg8 : memref<128xi32, #tpu.memory_space<vmem>>) target_semaphore(%run_scoped3A : memref<!tpu.dma_semaphore, #tpu.memory_space<semaphore_mem>>)
          %dma_wait3A_21 = arith.constant 0 : i32
          %dma_wait3A_22 = tpu.memref_slice %arg3[%arg0, %add3A, %dma_wait3A_21] : memref<2x2500x128xi32, #tpu.memory_space<hbm>> -> memref<1x1x128xi32, #tpu.memory_space<hbm>>
          %dma_wait3A_23 = tpu.memref_squeeze %dma_wait3A_22 : memref<1x1x128xi32, #tpu.memory_space<hbm>> -> memref<128xi32, #tpu.memory_space<hbm>>
          %dma_wait3A_24 = arith.constant 0 : i32
          %dma_wait3A_25 = tpu.memref_slice %arg3[%arg0, %add3A, %dma_wait3A_24] : memref<2x2500x128xi32, #tpu.memory_space<hbm>> -> memref<1x1x128xi32, #tpu.memory_space<hbm>>
          %dma_wait3A_26 = tpu.memref_squeeze %dma_wait3A_25 : memref<1x1x128xi32, #tpu.memory_space<hbm>> -> memref<128xi32, #tpu.memory_space<hbm>>
          tpu.wait_dma2 semaphore(%run_scoped3A : memref<!tpu.dma_semaphore, #tpu.memory_space<semaphore_mem>>) src(%dma_wait3A_26 : memref<128xi32, #tpu.memory_space<hbm>>) dst(%arg8 : memref<128xi32, #tpu.memory_space<vmem>>)
          tpu.yield
        }) : () -> ()
        "tpu.region"() ({
          %run_scoped3A = tpu.sem_alloc : memref<!tpu.dma_semaphore, #tpu.memory_space<semaphore_mem>>
          %dma_start3A_15 = arith.constant 0 : i32
          %dma_start3A_16 = tpu.memref_slice %arg4[%arg0, %add3A, %dma_start3A_15] : memref<2x2500x128xi32, #tpu.memory_space<hbm>> -> memref<1x1x128xi32, #tpu.memory_space<hbm>>
          %dma_start3A_17 = tpu.memref_squeeze %dma_start3A_16 : memref<1x1x128xi32, #tpu.memory_space<hbm>> -> memref<128xi32, #tpu.memory_space<hbm>>
          %dma_start3A_18 = arith.constant 0 : i32
          %dma_start3A_19 = tpu.memref_slice %arg4[%arg0, %add3A, %dma_start3A_18] : memref<2x2500x128xi32, #tpu.memory_space<hbm>> -> memref<1x1x128xi32, #tpu.memory_space<hbm>>
          %dma_start3A_20 = tpu.memref_squeeze %dma_start3A_19 : memref<1x1x128xi32, #tpu.memory_space<hbm>> -> memref<128xi32, #tpu.memory_space<hbm>>
          tpu.enqueue_dma source(%dma_start3A_20 : memref<128xi32, #tpu.memory_space<hbm>>) target(%arg9 : memref<128xi32, #tpu.memory_space<vmem>>) target_semaphore(%run_scoped3A : memref<!tpu.dma_semaphore, #tpu.memory_space<semaphore_mem>>)
          %dma_wait3A_21 = arith.constant 0 : i32
          %dma_wait3A_22 = tpu.memref_slice %arg4[%arg0, %add3A, %dma_wait3A_21] : memref<2x2500x128xi32, #tpu.memory_space<hbm>> -> memref<1x1x128xi32, #tpu.memory_space<hbm>>
          %dma_wait3A_23 = tpu.memref_squeeze %dma_wait3A_22 : memref<1x1x128xi32, #tpu.memory_space<hbm>> -> memref<128xi32, #tpu.memory_space<hbm>>
          %dma_wait3A_24 = arith.constant 0 : i32
          %dma_wait3A_25 = tpu.memref_slice %arg4[%arg0, %add3A, %dma_wait3A_24] : memref<2x2500x128xi32, #tpu.memory_space<hbm>> -> memref<1x1x128xi32, #tpu.memory_space<hbm>>
          %dma_wait3A_26 = tpu.memref_squeeze %dma_wait3A_25 : memref<1x1x128xi32, #tpu.memory_space<hbm>> -> memref<128xi32, #tpu.memory_space<hbm>>
          tpu.wait_dma2 semaphore(%run_scoped3A : memref<!tpu.dma_semaphore, #tpu.memory_space<semaphore_mem>>) src(%dma_wait3A_26 : memref<128xi32, #tpu.memory_space<hbm>>) dst(%arg9 : memref<128xi32, #tpu.memory_space<vmem>>)
          tpu.yield
        }) : () -> ()
        %dma_start3A = arith.constant 0 : i32
        %dma_start3A_11 = arith.constant 0 : i32
        %dma_start3A_12 = tpu.memref_slice %arg2[%dma_start3A, %dma_start3A_11] : memref<327680x128xf32, #tpu.memory_space<hbm>> -> memref<327680x128xf32, #tpu.memory_space<hbm>>
        tpu.enqueue_indirect_dma source(%dma_start3A_12 : memref<327680x128xf32, #tpu.memory_space<hbm>>) target(%arg10 : memref<128x128xf32, #tpu.memory_space<vmem>>) offsets(%arg9 : memref<128xi32, #tpu.memory_space<vmem>>) semaphore(%arg11 : memref<!tpu.dma_semaphore, #tpu.memory_space<semaphore_mem>>)
        %dma_wait3A = arith.constant 0 : i32
        %dma_wait3A_13 = arith.constant 0 : i32
        %dma_wait3A_14 = tpu.memref_slice %arg2[%dma_wait3A, %dma_wait3A_13] : memref<327680x128xf32, #tpu.memory_space<hbm>> -> memref<327680x128xf32, #tpu.memory_space<hbm>>
        tpu.wait_indirect_dma semaphore(%arg11 : memref<!tpu.dma_semaphore, #tpu.memory_space<semaphore_mem>>) src(%dma_wait3A_14 : memref<327680x128xf32, #tpu.memory_space<hbm>>) dst(%arg10 : memref<128x128xf32, #tpu.memory_space<vmem>>)
        "tpu.region"() ({
          %run_scoped3A = tpu.sem_alloc : memref<!tpu.dma_semaphore, #tpu.memory_space<semaphore_mem>>
          %dma_start3A_15 = arith.constant 0 : i32
          %dma_start3A_16 = arith.constant 0 : i32
          %dma_start3A_17 = tpu.memref_slice %arg7[%dma_start3A_15, %dma_start3A_16] : memref<10240x128xf32, #tpu.memory_space<vmem_shared>> -> memref<10240x128xf32, #tpu.memory_space<vmem_shared>>
          tpu.enqueue_indirect_dma source(%arg10 : memref<128x128xf32, #tpu.memory_space<vmem>>) target(%dma_start3A_17 : memref<10240x128xf32, #tpu.memory_space<vmem_shared>>) offsets(%arg8 : memref<128xi32, #tpu.memory_space<vmem>>) semaphore(%run_scoped3A : memref<!tpu.dma_semaphore, #tpu.memory_space<semaphore_mem>>) {add = true}
          %dma_wait3A_18 = arith.constant 0 : i32
          %dma_wait3A_19 = arith.constant 0 : i32
          %dma_wait3A_20 = tpu.memref_slice %arg7[%dma_wait3A_18, %dma_wait3A_19] : memref<10240x128xf32, #tpu.memory_space<vmem_shared>> -> memref<10240x128xf32, #tpu.memory_space<vmem_shared>>
          tpu.wait_indirect_dma semaphore(%run_scoped3A : memref<!tpu.dma_semaphore, #tpu.memory_space<semaphore_mem>>) src(%arg10 : memref<128x128xf32, #tpu.memory_space<vmem>>) dst(%dma_wait3A_20 : memref<10240x128xf32, #tpu.memory_space<vmem_shared>>)
          tpu.yield
        }) : () -> ()
      } else {
      }
    }
    %scan3A_4 = arith.constant 157 : i32
    %barrier3A_5 = arith.constant 0 : index
    tpu.barrier barrier_id(%barrier3A_5)
    "tpu.region"() ({
      %run_scoped3A = tpu.sem_alloc : memref<!tpu.dma_semaphore, #tpu.memory_space<semaphore_mem>>
      %dma_start3A = arith.constant 0 : i32
      %dma_start3A_6 = tpu.memref_slice %arg6[%arg0, %mul3A_0, %dma_start3A] : memref<2x10240x128xf32, #tpu.memory_space<hbm>> -> memref<1x640x128xf32, #tpu.memory_space<hbm>>
      %dma_start3A_7 = tpu.memref_squeeze %dma_start3A_6 : memref<1x640x128xf32, #tpu.memory_space<hbm>> -> memref<640x128xf32, #tpu.memory_space<hbm>>
      %dma_start3A_8 = arith.constant 0 : i32
      %dma_start3A_9 = tpu.memref_slice %arg7[%mul3A_0, %dma_start3A_8] : memref<10240x128xf32, #tpu.memory_space<vmem_shared>> -> memref<640x128xf32, #tpu.memory_space<vmem_shared>>
      tpu.enqueue_dma source(%dma_start3A_9 : memref<640x128xf32, #tpu.memory_space<vmem_shared>>) target(%dma_start3A_7 : memref<640x128xf32, #tpu.memory_space<hbm>>) target_semaphore(%run_scoped3A : memref<!tpu.dma_semaphore, #tpu.memory_space<semaphore_mem>>)
      %dma_wait3A = arith.constant 0 : i32
      %dma_wait3A_10 = tpu.memref_slice %arg6[%arg0, %mul3A_0, %dma_wait3A] : memref<2x10240x128xf32, #tpu.memory_space<hbm>> -> memref<1x640x128xf32, #tpu.memory_space<hbm>>
      %dma_wait3A_11 = tpu.memref_squeeze %dma_wait3A_10 : memref<1x640x128xf32, #tpu.memory_space<hbm>> -> memref<640x128xf32, #tpu.memory_space<hbm>>
      %dma_wait3A_12 = arith.constant 0 : i32
      %dma_wait3A_13 = tpu.memref_slice %arg7[%mul3A_0, %dma_wait3A_12] : memref<10240x128xf32, #tpu.memory_space<vmem_shared>> -> memref<640x128xf32, #tpu.memory_space<vmem_shared>>
      tpu.wait_dma2 semaphore(%run_scoped3A : memref<!tpu.dma_semaphore, #tpu.memory_space<semaphore_mem>>) src(%dma_wait3A_13 : memref<640x128xf32, #tpu.memory_space<vmem_shared>>) dst(%dma_wait3A_11 : memref<640x128xf32, #tpu.memory_space<hbm>>)
      tpu.yield
    }) : () -> ()
    return
  }
}

#map = affine_map<(d0, d1) -> (0, 0)>
#map1 = affine_map<(d0, d1) -> (0, 0, 0)>
module attributes {stable_mosaic.version = 14 : i64} {
  func.func @sc_edge_pass(%arg0: i32, %arg1: i32, %arg2: memref<327680x128xf32, #tpu.memory_space<hbm>>, %arg3: memref<2x2500x128xi32, #tpu.memory_space<hbm>>, %arg4: memref<2x2500x128xi32, #tpu.memory_space<hbm>>, %arg5: memref<640x128xf32, #tpu.memory_space<hbm>>, %arg6: memref<2x10240x128xf32, #tpu.memory_space<hbm>>, %arg7: memref<10240x128xf32, #tpu.memory_space<vmem_shared>>, %arg8: memref<128xi32, #tpu.memory_space<vmem>>, %arg9: memref<128xi32, #tpu.memory_space<vmem>>, %arg10: memref<128x128xf32, #tpu.memory_space<vmem>>, %arg11: memref<!tpu.dma_semaphore, #tpu.memory_space<semaphore_mem>>) attributes {dimension_semantics = [#tpu.dimension_semantics<core_parallel>, #tpu.dimension_semantics<subcore_parallel>], iteration_bounds = array<i64: 2, 16>, scalar_prefetch = 0 : i64, scratch_operands = 5 : i64, tpu.core_type = #tpu.core_type<sc_vector_subcore>, window_params = [{transform_indices = #map}, {transform_indices = #map1}, {transform_indices = #map1}, {transform_indices = #map}, {transform_indices = #map1}]} {
    %mul3A = arith.constant 640 : i32
    %mul3A_0 = arith.muli %arg1, %mul3A : i32
    "tpu.region"() ({
      %run_scoped3A = tpu.sem_alloc : memref<!tpu.dma_semaphore, #tpu.memory_space<semaphore_mem>>
      %dma_start3A = arith.constant 0 : i32
      %dma_start3A_6 = tpu.memref_slice %arg7[%mul3A_0, %dma_start3A] : memref<10240x128xf32, #tpu.memory_space<vmem_shared>> -> memref<640x128xf32, #tpu.memory_space<vmem_shared>>
      tpu.enqueue_dma source(%arg5 : memref<640x128xf32, #tpu.memory_space<hbm>>) target(%dma_start3A_6 : memref<640x128xf32, #tpu.memory_space<vmem_shared>>) target_semaphore(%run_scoped3A : memref<!tpu.dma_semaphore, #tpu.memory_space<semaphore_mem>>)
      %dma_wait3A = arith.constant 0 : i32
      %dma_wait3A_7 = tpu.memref_slice %arg7[%mul3A_0, %dma_wait3A] : memref<10240x128xf32, #tpu.memory_space<vmem_shared>> -> memref<640x128xf32, #tpu.memory_space<vmem_shared>>
      tpu.wait_dma2 semaphore(%run_scoped3A : memref<!tpu.dma_semaphore, #tpu.memory_space<semaphore_mem>>) src(%arg5 : memref<640x128xf32, #tpu.memory_space<hbm>>) dst(%dma_wait3A_7 : memref<640x128xf32, #tpu.memory_space<vmem_shared>>)
      tpu.yield
    }) : () -> ()
    %barrier3A = arith.constant 0 : index
    tpu.barrier barrier_id(%barrier3A)
    %scan3A = arith.constant 0 : i32
    %scan3A_1 = arith.constant 157 : i32
    %scan3A_2 = arith.addi %scan3A, %scan3A_1 : i32
    %scan3A_3 = arith.constant 1 : i32
    scf.for %scan3A_6 = %scan3A to %scan3A_2 step %scan3A_3  : i32 {
      %mul3A_7 = arith.constant 16 : i32
      %mul3A_8 = arith.muli %scan3A_6, %mul3A_7 : i32
      %add3A = arith.addi %arg1, %mul3A_8 : i32
      %lt3A = arith.constant 2500 : i32
      %lt3A_9 = arith.cmpi slt, %add3A, %lt3A : i32
      %convert_element_type3A = arith.extui %lt3A_9 : i1 to i32
      %cond3A = arith.constant 0 : i32
      %cond3A_10 = arith.cmpi ne, %convert_element_type3A, %cond3A : i32
      scf.if %cond3A_10 {
        "tpu.region"() ({
          %run_scoped3A = tpu.sem_alloc : memref<!tpu.dma_semaphore, #tpu.memory_space<semaphore_mem>>
          %dma_start3A_15 = arith.constant 0 : i32
          %dma_start3A_16 = tpu.memref_slice %arg3[%arg0, %add3A, %dma_start3A_15] : memref<2x2500x128xi32, #tpu.memory_space<hbm>> -> memref<1x1x128xi32, #tpu.memory_space<hbm>>
          %dma_start3A_17 = tpu.memref_squeeze %dma_start3A_16 : memref<1x1x128xi32, #tpu.memory_space<hbm>> -> memref<128xi32, #tpu.memory_space<hbm>>
          %dma_start3A_18 = arith.constant 0 : i32
          %dma_start3A_19 = tpu.memref_slice %arg3[%arg0, %add3A, %dma_start3A_18] : memref<2x2500x128xi32, #tpu.memory_space<hbm>> -> memref<1x1x128xi32, #tpu.memory_space<hbm>>
          %dma_start3A_20 = tpu.memref_squeeze %dma_start3A_19 : memref<1x1x128xi32, #tpu.memory_space<hbm>> -> memref<128xi32, #tpu.memory_space<hbm>>
          tpu.enqueue_dma source(%dma_start3A_20 : memref<128xi32, #tpu.memory_space<hbm>>) target(%arg8 : memref<128xi32, #tpu.memory_space<vmem>>) target_semaphore(%run_scoped3A : memref<!tpu.dma_semaphore, #tpu.memory_space<semaphore_mem>>)
          %dma_wait3A_21 = arith.constant 0 : i32
          %dma_wait3A_22 = tpu.memref_slice %arg3[%arg0, %add3A, %dma_wait3A_21] : memref<2x2500x128xi32, #tpu.memory_space<hbm>> -> memref<1x1x128xi32, #tpu.memory_space<hbm>>
          %dma_wait3A_23 = tpu.memref_squeeze %dma_wait3A_22 : memref<1x1x128xi32, #tpu.memory_space<hbm>> -> memref<128xi32, #tpu.memory_space<hbm>>
          %dma_wait3A_24 = arith.constant 0 : i32
          %dma_wait3A_25 = tpu.memref_slice %arg3[%arg0, %add3A, %dma_wait3A_24] : memref<2x2500x128xi32, #tpu.memory_space<hbm>> -> memref<1x1x128xi32, #tpu.memory_space<hbm>>
          %dma_wait3A_26 = tpu.memref_squeeze %dma_wait3A_25 : memref<1x1x128xi32, #tpu.memory_space<hbm>> -> memref<128xi32, #tpu.memory_space<hbm>>
          tpu.wait_dma2 semaphore(%run_scoped3A : memref<!tpu.dma_semaphore, #tpu.memory_space<semaphore_mem>>) src(%dma_wait3A_26 : memref<128xi32, #tpu.memory_space<hbm>>) dst(%arg8 : memref<128xi32, #tpu.memory_space<vmem>>)
          tpu.yield
        }) : () -> ()
        "tpu.region"() ({
          %run_scoped3A = tpu.sem_alloc : memref<!tpu.dma_semaphore, #tpu.memory_space<semaphore_mem>>
          %dma_start3A_15 = arith.constant 0 : i32
          %dma_start3A_16 = tpu.memref_slice %arg4[%arg0, %add3A, %dma_start3A_15] : memref<2x2500x128xi32, #tpu.memory_space<hbm>> -> memref<1x1x128xi32, #tpu.memory_space<hbm>>
          %dma_start3A_17 = tpu.memref_squeeze %dma_start3A_16 : memref<1x1x128xi32, #tpu.memory_space<hbm>> -> memref<128xi32, #tpu.memory_space<hbm>>
          %dma_start3A_18 = arith.constant 0 : i32
          %dma_start3A_19 = tpu.memref_slice %arg4[%arg0, %add3A, %dma_start3A_18] : memref<2x2500x128xi32, #tpu.memory_space<hbm>> -> memref<1x1x128xi32, #tpu.memory_space<hbm>>
          %dma_start3A_20 = tpu.memref_squeeze %dma_start3A_19 : memref<1x1x128xi32, #tpu.memory_space<hbm>> -> memref<128xi32, #tpu.memory_space<hbm>>
          tpu.enqueue_dma source(%dma_start3A_20 : memref<128xi32, #tpu.memory_space<hbm>>) target(%arg9 : memref<128xi32, #tpu.memory_space<vmem>>) target_semaphore(%run_scoped3A : memref<!tpu.dma_semaphore, #tpu.memory_space<semaphore_mem>>)
          %dma_wait3A_21 = arith.constant 0 : i32
          %dma_wait3A_22 = tpu.memref_slice %arg4[%arg0, %add3A, %dma_wait3A_21] : memref<2x2500x128xi32, #tpu.memory_space<hbm>> -> memref<1x1x128xi32, #tpu.memory_space<hbm>>
          %dma_wait3A_23 = tpu.memref_squeeze %dma_wait3A_22 : memref<1x1x128xi32, #tpu.memory_space<hbm>> -> memref<128xi32, #tpu.memory_space<hbm>>
          %dma_wait3A_24 = arith.constant 0 : i32
          %dma_wait3A_25 = tpu.memref_slice %arg4[%arg0, %add3A, %dma_wait3A_24] : memref<2x2500x128xi32, #tpu.memory_space<hbm>> -> memref<1x1x128xi32, #tpu.memory_space<hbm>>
          %dma_wait3A_26 = tpu.memref_squeeze %dma_wait3A_25 : memref<1x1x128xi32, #tpu.memory_space<hbm>> -> memref<128xi32, #tpu.memory_space<hbm>>
          tpu.wait_dma2 semaphore(%run_scoped3A : memref<!tpu.dma_semaphore, #tpu.memory_space<semaphore_mem>>) src(%dma_wait3A_26 : memref<128xi32, #tpu.memory_space<hbm>>) dst(%arg9 : memref<128xi32, #tpu.memory_space<vmem>>)
          tpu.yield
        }) : () -> ()
        %dma_start3A = arith.constant 0 : i32
        %dma_start3A_11 = arith.constant 0 : i32
        %dma_start3A_12 = tpu.memref_slice %arg2[%dma_start3A, %dma_start3A_11] : memref<327680x128xf32, #tpu.memory_space<hbm>> -> memref<327680x128xf32, #tpu.memory_space<hbm>>
        tpu.enqueue_indirect_dma source(%dma_start3A_12 : memref<327680x128xf32, #tpu.memory_space<hbm>>) target(%arg10 : memref<128x128xf32, #tpu.memory_space<vmem>>) offsets(%arg9 : memref<128xi32, #tpu.memory_space<vmem>>) semaphore(%arg11 : memref<!tpu.dma_semaphore, #tpu.memory_space<semaphore_mem>>)
        %dma_wait3A = arith.constant 0 : i32
        %dma_wait3A_13 = arith.constant 0 : i32
        %dma_wait3A_14 = tpu.memref_slice %arg2[%dma_wait3A, %dma_wait3A_13] : memref<327680x128xf32, #tpu.memory_space<hbm>> -> memref<327680x128xf32, #tpu.memory_space<hbm>>
        tpu.wait_indirect_dma semaphore(%arg11 : memref<!tpu.dma_semaphore, #tpu.memory_space<semaphore_mem>>) src(%dma_wait3A_14 : memref<327680x128xf32, #tpu.memory_space<hbm>>) dst(%arg10 : memref<128x128xf32, #tpu.memory_space<vmem>>)
        "tpu.region"() ({
          %run_scoped3A = tpu.sem_alloc : memref<!tpu.dma_semaphore, #tpu.memory_space<semaphore_mem>>
          %dma_start3A_15 = arith.constant 0 : i32
          %dma_start3A_16 = arith.constant 0 : i32
          %dma_start3A_17 = tpu.memref_slice %arg7[%dma_start3A_15, %dma_start3A_16] : memref<10240x128xf32, #tpu.memory_space<vmem_shared>> -> memref<10240x128xf32, #tpu.memory_space<vmem_shared>>
          tpu.enqueue_indirect_dma source(%arg10 : memref<128x128xf32, #tpu.memory_space<vmem>>) target(%dma_start3A_17 : memref<10240x128xf32, #tpu.memory_space<vmem_shared>>) offsets(%arg8 : memref<128xi32, #tpu.memory_space<vmem>>) semaphore(%run_scoped3A : memref<!tpu.dma_semaphore, #tpu.memory_space<semaphore_mem>>) {add = true}
          %dma_wait3A_18 = arith.constant 0 : i32
          %dma_wait3A_19 = arith.constant 0 : i32
          %dma_wait3A_20 = tpu.memref_slice %arg7[%dma_wait3A_18, %dma_wait3A_19] : memref<10240x128xf32, #tpu.memory_space<vmem_shared>> -> memref<10240x128xf32, #tpu.memory_space<vmem_shared>>
          tpu.wait_indirect_dma semaphore(%run_scoped3A : memref<!tpu.dma_semaphore, #tpu.memory_space<semaphore_mem>>) src(%arg10 : memref<128x128xf32, #tpu.memory_space<vmem>>) dst(%dma_wait3A_20 : memref<10240x128xf32, #tpu.memory_space<vmem_shared>>)
          tpu.yield
        }) : () -> ()
      } else {
      }
    }
    %scan3A_4 = arith.constant 157 : i32
    %barrier3A_5 = arith.constant 0 : index
    tpu.barrier barrier_id(%barrier3A_5)
    "tpu.region"() ({
      %run_scoped3A = tpu.sem_alloc : memref<!tpu.dma_semaphore, #tpu.memory_space<semaphore_mem>>
      %dma_start3A = arith.constant 0 : i32
      %dma_start3A_6 = tpu.memref_slice %arg6[%arg0, %mul3A_0, %dma_start3A] : memref<2x10240x128xf32, #tpu.memory_space<hbm>> -> memref<1x640x128xf32, #tpu.memory_space<hbm>>
      %dma_start3A_7 = tpu.memref_squeeze %dma_start3A_6 : memref<1x640x128xf32, #tpu.memory_space<hbm>> -> memref<640x128xf32, #tpu.memory_space<hbm>>
      %dma_start3A_8 = arith.constant 0 : i32
      %dma_start3A_9 = tpu.memref_slice %arg7[%mul3A_0, %dma_start3A_8] : memref<10240x128xf32, #tpu.memory_space<vmem_shared>> -> memref<640x128xf32, #tpu.memory_space<vmem_shared>>
      tpu.enqueue_dma source(%dma_start3A_9 : memref<640x128xf32, #tpu.memory_space<vmem_shared>>) target(%dma_start3A_7 : memref<640x128xf32, #tpu.memory_space<hbm>>) target_semaphore(%run_scoped3A : memref<!tpu.dma_semaphore, #tpu.memory_space<semaphore_mem>>)
      %dma_wait3A = arith.constant 0 : i32
      %dma_wait3A_10 = tpu.memref_slice %arg6[%arg0, %mul3A_0, %dma_wait3A] : memref<2x10240x128xf32, #tpu.memory_space<hbm>> -> memref<1x640x128xf32, #tpu.memory_space<hbm>>
      %dma_wait3A_11 = tpu.memref_squeeze %dma_wait3A_10 : memref<1x640x128xf32, #tpu.memory_space<hbm>> -> memref<640x128xf32, #tpu.memory_space<hbm>>
      %dma_wait3A_12 = arith.constant 0 : i32
      %dma_wait3A_13 = tpu.memref_slice %arg7[%mul3A_0, %dma_wait3A_12] : memref<10240x128xf32, #tpu.memory_space<vmem_shared>> -> memref<640x128xf32, #tpu.memory_space<vmem_shared>>
      tpu.wait_dma2 semaphore(%run_scoped3A : memref<!tpu.dma_semaphore, #tpu.memory_space<semaphore_mem>>) src(%dma_wait3A_13 : memref<640x128xf32, #tpu.memory_space<vmem_shared>>) dst(%dma_wait3A_11 : memref<640x128xf32, #tpu.memory_space<hbm>>)
      tpu.yield
    }) : () -> ()
    return
  }
}

module attributes {stable_mosaic.version = 14 : i64} {
  func.func @tc_prep(%arg0: i32, %arg1: memref<200x128xf32, #tpu.memory_space<vmem>>, %arg2: memref<200x128xf32, #tpu.memory_space<vmem>>, %arg3: memref<200x128xf32, #tpu.memory_space<vmem>>, %arg4: memref<200x128xf32, #tpu.memory_space<vmem>>, %arg5: memref<128x128xf32, #tpu.memory_space<vmem>>, %arg6: memref<1x128xf32, #tpu.memory_space<vmem>>, %arg7: memref<200x128xf32, #tpu.memory_space<vmem>>, %arg8: memref<200x128xf32, #tpu.memory_space<vmem>>, %arg9: memref<200x128xf32, #tpu.memory_space<vmem>>, %arg10: memref<200x1xf32, #tpu.memory_space<vmem>>, %arg11: memref<200x1xf32, #tpu.memory_space<vmem>>) attributes {dimension_semantics = [#tpu.dimension_semantics<arbitrary>], iteration_bounds = array<i64: 50>, scalar_prefetch = 0 : i64, scratch_operands = 0 : i64, tpu.core_type = #tpu.core_type<tc>, window_params = [{transform_indices = @transform_0, window_bounds = array<i64: 200, 128>}, {transform_indices = @transform_1, window_bounds = array<i64: 200, 128>}, {transform_indices = @transform_2, window_bounds = array<i64: 200, 128>}, {transform_indices = @transform_3, window_bounds = array<i64: 200, 128>}, {pipeline_mode = #tpu.pipeline_mode<synchronous>, transform_indices = @transform_4, window_bounds = array<i64: 128, 128>}, {pipeline_mode = #tpu.pipeline_mode<synchronous>, transform_indices = @transform_5, window_bounds = array<i64: 1, 128>}, {transform_indices = @transform_6, window_bounds = array<i64: 200, 128>}, {transform_indices = @transform_7, window_bounds = array<i64: 200, 128>}, {transform_indices = @transform_8, window_bounds = array<i64: 200, 128>}, {transform_indices = @transform_9, window_bounds = array<i64: 200, 1>}, {transform_indices = @transform_10, window_bounds = array<i64: 200, 1>}]} {
    %get3A = arith.constant 0 : index
    %get3A_0 = arith.constant 0 : index
    %get3A_1 = vector.load %arg3[%get3A, %get3A_0] : memref<200x128xf32, #tpu.memory_space<vmem>>, vector<200x128xf32>
    %slice3A = vector.extract_strided_slice %get3A_1 {offsets = [0, 0], sizes = [200, 1], strides = [1, 1]} : vector<200x128xf32> to vector<200x1xf32>
    %get3A_2 = arith.constant 0 : index
    %get3A_3 = arith.constant 0 : index
    %get3A_4 = vector.load %arg4[%get3A_2, %get3A_3] : memref<200x128xf32, #tpu.memory_space<vmem>>, vector<200x128xf32>
    %slice3A_5 = vector.extract_strided_slice %get3A_4 {offsets = [0, 0], sizes = [200, 1], strides = [1, 1]} : vector<200x128xf32> to vector<200x1xf32>
    %gt3A = arith.constant 0.000000e+00 : f32
    %gt3A_6 = vector.broadcast %gt3A : f32 to vector<200x1xf32>
    %gt3A_7 = arith.cmpf ogt, %slice3A, %gt3A_6 : vector<200x1xf32>
    %max3A = arith.constant 9.99999996E-13 : f32
    %max3A_8 = vector.broadcast %max3A : f32 to vector<200x1xf32>
    %max3A_9 = arith.maximumf %slice3A, %max3A_8 : vector<200x1xf32>
    %rsqrt3A = math.rsqrt %max3A_9 : vector<200x1xf32>
    %jit3A = arith.constant 0.000000e+00 : f32
    %broadcast_in_dim3A = vector.broadcast %jit3A : f32 to vector<200x1xf32>
    %select_n3A = arith.select %gt3A_7, %rsqrt3A, %broadcast_in_dim3A : vector<200x1xi1>, vector<200x1xf32>
    %gt3A_10 = arith.constant 0.000000e+00 : f32
    %gt3A_11 = vector.broadcast %gt3A_10 : f32 to vector<200x1xf32>
    %gt3A_12 = arith.cmpf ogt, %slice3A_5, %gt3A_11 : vector<200x1xf32>
    %max3A_13 = arith.constant 9.99999996E-13 : f32
    %max3A_14 = vector.broadcast %max3A_13 : f32 to vector<200x1xf32>
    %max3A_15 = arith.maximumf %slice3A_5, %max3A_14 : vector<200x1xf32>
    %rsqrt3A_16 = math.rsqrt %max3A_15 : vector<200x1xf32>
    %jit3A_17 = arith.constant 0.000000e+00 : f32
    %broadcast_in_dim3A_18 = vector.broadcast %jit3A_17 : f32 to vector<200x1xf32>
    %select_n3A_19 = arith.select %gt3A_12, %rsqrt3A_16, %broadcast_in_dim3A_18 : vector<200x1xi1>, vector<200x1xf32>
    %get3A_20 = arith.constant 0 : index
    %get3A_21 = arith.constant 0 : index
    %get3A_22 = vector.load %arg1[%get3A_20, %get3A_21] : memref<200x128xf32, #tpu.memory_space<vmem>>, vector<200x128xf32>
    %get3A_23 = arith.constant 0 : index
    %get3A_24 = arith.constant 0 : index
    %get3A_25 = vector.load %arg5[%get3A_23, %get3A_24] : memref<128x128xf32, #tpu.memory_space<vmem>>, vector<128x128xf32>
    %dot_general3A = arith.constant dense<0.000000e+00> : vector<200x128xf32>
    %dot_general3A_26 = tpu.matmul %get3A_22, %get3A_25, %dot_general3A {dimension_numbers = #tpu.dot_dimension_numbers<[1], [1], [0], [0], [0, 0, 1, 0], [], []>, transpose_lhs_hint = false} : vector<200x128xf32>, vector<128x128xf32>, vector<200x128xf32> -> vector<200x128xf32>
    %get3A_27 = arith.constant 0 : index
    %get3A_28 = arith.constant 0 : index
    %get3A_29 = vector.load %arg6[%get3A_27, %get3A_28] : memref<1x128xf32, #tpu.memory_space<vmem>>, vector<1x128xf32>
    %add3A = vector.broadcast %get3A_29 : vector<1x128xf32> to vector<200x128xf32>
    %add3A_30 = arith.addf %dot_general3A_26, %add3A : vector<200x128xf32>
    %lt3A = arith.constant 30 : i32
    %lt3A_31 = arith.cmpi slt, %arg0, %lt3A : i32
    %get3A_32 = arith.constant 0 : index
    %get3A_33 = arith.constant 0 : index
    %get3A_34 = vector.load %arg2[%get3A_32, %get3A_33] : memref<200x128xf32, #tpu.memory_space<vmem>>, vector<200x128xf32>
    %select_n3A_35 = arith.select %lt3A_31, %add3A_30, %get3A_34 : vector<200x128xf32>
    %swap3A = arith.constant 0 : index
    %swap3A_36 = arith.constant 0 : index
    %swap3A_37 = vector.load %arg7[%swap3A, %swap3A_36] : memref<200x128xf32, #tpu.memory_space<vmem>>, vector<200x128xf32>
    tpu.vector_store %arg7[%swap3A, %swap3A_36], %select_n3A_35 {strides = array<i32>} : memref<200x128xf32, #tpu.memory_space<vmem>>, vector<200x128xf32>,
    %mul3A = vector.broadcast %select_n3A_19 : vector<200x1xf32> to vector<200x128xf32>
    %mul3A_38 = arith.mulf %mul3A, %select_n3A_35 : vector<200x128xf32>
    %swap3A_39 = arith.constant 0 : index
    %swap3A_40 = arith.constant 0 : index
    %swap3A_41 = vector.load %arg8[%swap3A_39, %swap3A_40] : memref<200x128xf32, #tpu.memory_space<vmem>>, vector<200x128xf32>
    tpu.vector_store %arg8[%swap3A_39, %swap3A_40], %mul3A_38 {strides = array<i32>} : memref<200x128xf32, #tpu.memory_space<vmem>>, vector<200x128xf32>,
    %mul3A_42 = vector.broadcast %select_n3A : vector<200x1xf32> to vector<200x128xf32>
    %mul3A_43 = arith.mulf %mul3A_42, %select_n3A_35 : vector<200x128xf32>
    %swap3A_44 = arith.constant 0 : index
    %swap3A_45 = arith.constant 0 : index
    %swap3A_46 = vector.load %arg9[%swap3A_44, %swap3A_45] : memref<200x128xf32, #tpu.memory_space<vmem>>, vector<200x128xf32>
    tpu.vector_store %arg9[%swap3A_44, %swap3A_45], %mul3A_43 {strides = array<i32>} : memref<200x128xf32, #tpu.memory_space<vmem>>, vector<200x128xf32>,
    %swap3A_47 = arith.constant 0 : index
    %swap3A_48 = arith.constant 0 : index
    %swap3A_49 = vector.load %arg10[%swap3A_47, %swap3A_48] : memref<200x1xf32, #tpu.memory_space<vmem>>, vector<200x1xf32>
    tpu.vector_store %arg10[%swap3A_47, %swap3A_48], %select_n3A {strides = array<i32>} : memref<200x1xf32, #tpu.memory_space<vmem>>, vector<200x1xf32>,
    %swap3A_50 = arith.constant 0 : index
    %swap3A_51 = arith.constant 0 : index
    %swap3A_52 = vector.load %arg11[%swap3A_50, %swap3A_51] : memref<200x1xf32, #tpu.memory_space<vmem>>, vector<200x1xf32>
    tpu.vector_store %arg11[%swap3A_50, %swap3A_51], %select_n3A_19 {strides = array<i32>} : memref<200x1xf32, #tpu.memory_space<vmem>>, vector<200x1xf32>,
    return
  }
  func.func @transform_0(%arg0: i32) -> (i32, i32) {
    %min3A = arith.constant 29 : i32
    %min3A_0 = arith.minsi %arg0, %min3A : i32
    %c0_i32 = arith.constant 0 : i32
    %c0_i32_1 = arith.constant 0 : i32
    return %min3A_0, %c0_i32 : i32, i32
  }
  func.func @transform_1(%arg0: i32) -> (i32, i32) {
    %sub3A = arith.constant 30 : i32
    %sub3A_0 = arith.subi %arg0, %sub3A : i32
    %max3A = arith.constant 0 : i32
    %max3A_1 = arith.maxsi %sub3A_0, %max3A : i32
    %c0_i32 = arith.constant 0 : i32
    %c0_i32_2 = arith.constant 0 : i32
    return %max3A_1, %c0_i32 : i32, i32
  }
  func.func @transform_2(%arg0: i32) -> (i32, i32) {
    %c0_i32 = arith.constant 0 : i32
    %c0_i32_0 = arith.constant 0 : i32
    return %arg0, %c0_i32 : i32, i32
  }
  func.func @transform_3(%arg0: i32) -> (i32, i32) {
    %c0_i32 = arith.constant 0 : i32
    %c0_i32_0 = arith.constant 0 : i32
    return %arg0, %c0_i32 : i32, i32
  }
  func.func @transform_4(%arg0: i32) -> (i32, i32) {
    %c0_i32 = arith.constant 0 : i32
    %c0_i32_0 = arith.constant 0 : i32
    %c0_i32_1 = arith.constant 0 : i32
    return %c0_i32, %c0_i32_0 : i32, i32
  }
  func.func @transform_5(%arg0: i32) -> (i32, i32) {
    %c0_i32 = arith.constant 0 : i32
    %c0_i32_0 = arith.constant 0 : i32
    %c0_i32_1 = arith.constant 0 : i32
    return %c0_i32, %c0_i32_0 : i32, i32
  }
  func.func @transform_6(%arg0: i32) -> (i32, i32) {
    %c0_i32 = arith.constant 0 : i32
    %c0_i32_0 = arith.constant 0 : i32
    return %arg0, %c0_i32 : i32, i32
  }
  func.func @transform_7(%arg0: i32) -> (i32, i32) {
    %c0_i32 = arith.constant 0 : i32
    %c0_i32_0 = arith.constant 0 : i32
    return %arg0, %c0_i32 : i32, i32
  }
  func.func @transform_8(%arg0: i32) -> (i32, i32) {
    %c0_i32 = arith.constant 0 : i32
    %c0_i32_0 = arith.constant 0 : i32
    return %arg0, %c0_i32 : i32, i32
  }
  func.func @transform_9(%arg0: i32) -> (i32, i32) {
    %c0_i32 = arith.constant 0 : i32
    %c0_i32_0 = arith.constant 0 : i32
    return %arg0, %c0_i32 : i32, i32
  }
  func.func @transform_10(%arg0: i32) -> (i32, i32) {
    %c0_i32 = arith.constant 0 : i32
    %c0_i32_0 = arith.constant 0 : i32
    return %arg0, %c0_i32 : i32, i32
  }
}

module attributes {stable_mosaic.version = 14 : i64} {
  func.func @tc_table(%arg0: i32, %arg1: memref<256x1xf32, #tpu.memory_space<vmem>>, %arg2: memref<256x128xf32, #tpu.memory_space<vmem>>, %arg3: memref<16x128xf32, #tpu.memory_space<vmem>>, %arg4: memref<256x16x128xf32, #tpu.memory_space<vmem>>) attributes {dimension_semantics = [#tpu.dimension_semantics<arbitrary>], iteration_bounds = array<i64: 80>, scalar_prefetch = 0 : i64, scratch_operands = 0 : i64, tpu.core_type = #tpu.core_type<tc>, window_params = [{transform_indices = @transform_0, window_bounds = array<i64: 256, 1>}, {transform_indices = @transform_1, window_bounds = array<i64: 256, 128>}, {pipeline_mode = #tpu.pipeline_mode<synchronous>, transform_indices = @transform_2, window_bounds = array<i64: 16, 128>}, {transform_indices = @transform_3, window_bounds = array<i64: 256, 16, 128>}]} {
    %get3A = arith.constant 0 : index
    %get3A_0 = arith.constant 0 : index
    %get3A_1 = vector.load %arg2[%get3A, %get3A_0] : memref<256x128xf32, #tpu.memory_space<vmem>>, vector<256x128xf32>
    %reshape3A = vector.shape_cast %get3A_1 : vector<256x128xf32> to vector<256x1x128xf32>
    %get3A_2 = arith.constant 0 : index
    %get3A_3 = arith.constant 0 : index
    %get3A_4 = vector.load %arg1[%get3A_2, %get3A_3] : memref<256x1xf32, #tpu.memory_space<vmem>>, vector<256x1xf32>
    %reshape3A_5 = vector.shape_cast %get3A_4 : vector<256x1xf32> to vector<256x1x1xf32>
    %get3A_6 = arith.constant 0 : index
    %get3A_7 = arith.constant 0 : index
    %get3A_8 = vector.load %arg3[%get3A_6, %get3A_7] : memref<16x128xf32, #tpu.memory_space<vmem>>, vector<16x128xf32>
    %reshape3A_9 = vector.shape_cast %get3A_8 : vector<16x128xf32> to vector<1x16x128xf32>
    %mul3A = vector.broadcast %reshape3A_5 : vector<256x1x1xf32> to vector<256x16x128xf32>
    %mul3A_10 = vector.broadcast %reshape3A_9 : vector<1x16x128xf32> to vector<256x16x128xf32>
    %mul3A_11 = arith.mulf %mul3A, %mul3A_10 : vector<256x16x128xf32>
    %sub3A = vector.broadcast %reshape3A : vector<256x1x128xf32> to vector<256x16x128xf32>
    %sub3A_12 = arith.subf %sub3A, %mul3A_11 : vector<256x16x128xf32>
    %swap3A = arith.constant 0 : index
    %swap3A_13 = arith.constant 0 : index
    %swap3A_14 = arith.constant 0 : index
    %swap3A_15 = vector.load %arg4[%swap3A, %swap3A_13, %swap3A_14] : memref<256x16x128xf32, #tpu.memory_space<vmem>>, vector<256x16x128xf32>
    tpu.vector_store %arg4[%swap3A, %swap3A_13, %swap3A_14], %sub3A_12 {strides = array<i32>} : memref<256x16x128xf32, #tpu.memory_space<vmem>>, vector<256x16x128xf32>,
    return
  }
  func.func @transform_0(%arg0: i32) -> (i32, i32) {
    %c0_i32 = arith.constant 0 : i32
    %c0_i32_0 = arith.constant 0 : i32
    return %arg0, %c0_i32 : i32, i32
  }
  func.func @transform_1(%arg0: i32) -> (i32, i32) {
    %c0_i32 = arith.constant 0 : i32
    %c0_i32_0 = arith.constant 0 : i32
    return %arg0, %c0_i32 : i32, i32
  }
  func.func @transform_2(%arg0: i32) -> (i32, i32) {
    %c0_i32 = arith.constant 0 : i32
    %c0_i32_0 = arith.constant 0 : i32
    %c0_i32_1 = arith.constant 0 : i32
    return %c0_i32, %c0_i32_0 : i32, i32
  }
  func.func @transform_3(%arg0: i32) -> (i32, i32, i32) {
    %c0_i32 = arith.constant 0 : i32
    %c0_i32_0 = arith.constant 0 : i32
    %c0_i32_1 = arith.constant 0 : i32
    return %arg0, %c0_i32, %c0_i32_0 : i32, i32, i32
  }
}

module attributes {stable_mosaic.version = 14 : i64} {
  func.func @tc_dense(%arg0: i32, %arg1: memref<200x128xf32, #tpu.memory_space<vmem>>, %arg2: memref<200x128xf32, #tpu.memory_space<vmem>>, %arg3: memref<200x128xf32, #tpu.memory_space<vmem>>, %arg4: memref<200x1xf32, #tpu.memory_space<vmem>>, %arg5: memref<200x1xf32, #tpu.memory_space<vmem>>, %arg6: memref<128x128xf32, #tpu.memory_space<vmem>>, %arg7: memref<128x128xf32, #tpu.memory_space<vmem>>, %arg8: memref<128x128xf32, #tpu.memory_space<vmem>>, %arg9: memref<1x128xf32, #tpu.memory_space<vmem>>, %arg10: memref<1x128xf32, #tpu.memory_space<vmem>>, %arg11: memref<1x128xf32, #tpu.memory_space<vmem>>, %arg12: memref<1x128xf32, #tpu.memory_space<vmem>>, %arg13: memref<200x128xf32, #tpu.memory_space<vmem>>, %arg14: memref<200x128xf32, #tpu.memory_space<vmem>>, %arg15: memref<200x128xf32, #tpu.memory_space<vmem>>) attributes {dimension_semantics = [#tpu.dimension_semantics<arbitrary>], iteration_bounds = array<i64: 50>, scalar_prefetch = 0 : i64, scratch_operands = 0 : i64, tpu.core_type = #tpu.core_type<tc>, window_params = [{transform_indices = @transform_0, window_bounds = array<i64: 200, 128>}, {transform_indices = @transform_1, window_bounds = array<i64: 200, 128>}, {transform_indices = @transform_2, window_bounds = array<i64: 200, 128>}, {transform_indices = @transform_3, window_bounds = array<i64: 200, 1>}, {transform_indices = @transform_4, window_bounds = array<i64: 200, 1>}, {pipeline_mode = #tpu.pipeline_mode<synchronous>, transform_indices = @transform_5, window_bounds = array<i64: 128, 128>}, {pipeline_mode = #tpu.pipeline_mode<synchronous>, transform_indices = @transform_6, window_bounds = array<i64: 128, 128>}, {pipeline_mode = #tpu.pipeline_mode<synchronous>, transform_indices = @transform_7, window_bounds = array<i64: 128, 128>}, {pipeline_mode = #tpu.pipeline_mode<synchronous>, transform_indices = @transform_8, window_bounds = array<i64: 1, 128>}, {pipeline_mode = #tpu.pipeline_mode<synchronous>, transform_indices = @transform_9, window_bounds = array<i64: 1, 128>}, {pipeline_mode = #tpu.pipeline_mode<synchronous>, transform_indices = @transform_10, window_bounds = array<i64: 1, 128>}, {pipeline_mode = #tpu.pipeline_mode<synchronous>, transform_indices = @transform_11, window_bounds = array<i64: 1, 128>}, {transform_indices = @transform_12, window_bounds = array<i64: 200, 128>}, {transform_indices = @transform_13, window_bounds = array<i64: 200, 128>}, {transform_indices = @transform_14, window_bounds = array<i64: 200, 128>}]} {
    %get3A = arith.constant 0 : index
    %get3A_0 = arith.constant 0 : index
    %get3A_1 = vector.load %arg4[%get3A, %get3A_0] : memref<200x1xf32, #tpu.memory_space<vmem>>, vector<200x1xf32>
    %get3A_2 = arith.constant 0 : index
    %get3A_3 = arith.constant 0 : index
    %get3A_4 = vector.load %arg5[%get3A_2, %get3A_3] : memref<200x1xf32, #tpu.memory_space<vmem>>, vector<200x1xf32>
    %get3A_5 = arith.constant 0 : index
    %get3A_6 = arith.constant 0 : index
    %get3A_7 = vector.load %arg1[%get3A_5, %get3A_6] : memref<200x128xf32, #tpu.memory_space<vmem>>, vector<200x128xf32>
    %get3A_8 = arith.constant 0 : index
    %get3A_9 = arith.constant 0 : index
    %get3A_10 = vector.load %arg6[%get3A_8, %get3A_9] : memref<128x128xf32, #tpu.memory_space<vmem>>, vector<128x128xf32>
    %dot_general3A = arith.constant dense<0.000000e+00> : vector<200x128xf32>
    %dot_general3A_11 = tpu.matmul %get3A_7, %get3A_10, %dot_general3A {dimension_numbers = #tpu.dot_dimension_numbers<[1], [1], [0], [0], [0, 0, 1, 0], [], []>, transpose_lhs_hint = false} : vector<200x128xf32>, vector<128x128xf32>, vector<200x128xf32> -> vector<200x128xf32>
    %mul3A = vector.broadcast %get3A_1 : vector<200x1xf32> to vector<200x128xf32>
    %mul3A_12 = arith.mulf %mul3A, %dot_general3A_11 : vector<200x128xf32>
    %get3A_13 = arith.constant 0 : index
    %get3A_14 = arith.constant 0 : index
    %get3A_15 = vector.load %arg2[%get3A_13, %get3A_14] : memref<200x128xf32, #tpu.memory_space<vmem>>, vector<200x128xf32>
    %get3A_16 = arith.constant 0 : index
    %get3A_17 = arith.constant 0 : index
    %get3A_18 = vector.load %arg7[%get3A_16, %get3A_17] : memref<128x128xf32, #tpu.memory_space<vmem>>, vector<128x128xf32>
    %dot_general3A_19 = arith.constant dense<0.000000e+00> : vector<200x128xf32>
    %dot_general3A_20 = tpu.matmul %get3A_15, %get3A_18, %dot_general3A_19 {dimension_numbers = #tpu.dot_dimension_numbers<[1], [1], [0], [0], [0, 0, 1, 0], [], []>, transpose_lhs_hint = false} : vector<200x128xf32>, vector<128x128xf32>, vector<200x128xf32> -> vector<200x128xf32>
    %mul3A_21 = vector.broadcast %get3A_4 : vector<200x1xf32> to vector<200x128xf32>
    %mul3A_22 = arith.mulf %mul3A_21, %dot_general3A_20 : vector<200x128xf32>
    %get3A_23 = arith.constant 0 : index
    %get3A_24 = arith.constant 0 : index
    %get3A_25 = vector.load %arg3[%get3A_23, %get3A_24] : memref<200x128xf32, #tpu.memory_space<vmem>>, vector<200x128xf32>
    %get3A_26 = arith.constant 0 : index
    %get3A_27 = arith.constant 0 : index
    %get3A_28 = vector.load %arg9[%get3A_26, %get3A_27] : memref<1x128xf32, #tpu.memory_space<vmem>>, vector<1x128xf32>
    %sub3A = vector.broadcast %get3A_28 : vector<1x128xf32> to vector<200x128xf32>
    %sub3A_29 = arith.subf %get3A_25, %sub3A : vector<200x128xf32>
    %get3A_30 = arith.constant 0 : index
    %get3A_31 = arith.constant 0 : index
    %get3A_32 = vector.load %arg8[%get3A_30, %get3A_31] : memref<128x128xf32, #tpu.memory_space<vmem>>, vector<128x128xf32>
    %dot_general3A_33 = arith.constant dense<0.000000e+00> : vector<200x128xf32>
    %dot_general3A_34 = tpu.matmul %sub3A_29, %get3A_32, %dot_general3A_33 {dimension_numbers = #tpu.dot_dimension_numbers<[1], [1], [0], [0], [0, 0, 1, 0], [], []>, transpose_lhs_hint = false} : vector<200x128xf32>, vector<128x128xf32>, vector<200x128xf32> -> vector<200x128xf32>
    %add3A = arith.addf %mul3A_12, %mul3A_22 : vector<200x128xf32>
    %add3A_35 = arith.addf %add3A, %dot_general3A_34 : vector<200x128xf32>
    %mul3A_36 = arith.constant 0.333333343 : f32
    %mul3A_37 = vector.broadcast %mul3A_36 : f32 to vector<200x128xf32>
    %mul3A_38 = arith.mulf %add3A_35, %mul3A_37 : vector<200x128xf32>
    %get3A_39 = arith.constant 0 : index
    %get3A_40 = arith.constant 0 : index
    %get3A_41 = vector.load %arg10[%get3A_39, %get3A_40] : memref<1x128xf32, #tpu.memory_space<vmem>>, vector<1x128xf32>
    %add3A_42 = vector.broadcast %get3A_41 : vector<1x128xf32> to vector<200x128xf32>
    %add3A_43 = arith.addf %mul3A_38, %add3A_42 : vector<200x128xf32>
    %max3A = arith.constant 0.000000e+00 : f32
    %max3A_44 = vector.broadcast %max3A : f32 to vector<200x128xf32>
    %max3A_45 = arith.maximumf %add3A_43, %max3A_44 : vector<200x128xf32>
    %reduce_sum3A = arith.constant dense<0.000000e+00> : vector<200xf32>
    %reduce_sum3A_46 = vector.multi_reduction <add>, %max3A_45, %reduce_sum3A [1] : vector<200x128xf32> to vector<200xf32>
    %broadcast_in_dim3A = vector.shape_cast %reduce_sum3A_46 : vector<200xf32> to vector<200x1xf32>
    %div3A = arith.constant 1.280000e+02 : f32
    %div3A_47 = vector.broadcast %div3A : f32 to vector<200x1xf32>
    %div3A_48 = arith.divf %broadcast_in_dim3A, %div3A_47 : vector<200x1xf32>
    %sub3A_49 = vector.broadcast %div3A_48 : vector<200x1xf32> to vector<200x128xf32>
    %sub3A_50 = arith.subf %max3A_45, %sub3A_49 : vector<200x128xf32>
    %sub3A_51 = vector.broadcast %div3A_48 : vector<200x1xf32> to vector<200x128xf32>
    %sub3A_52 = arith.subf %max3A_45, %sub3A_51 : vector<200x128xf32>
    %mul3A_53 = arith.mulf %sub3A_50, %sub3A_52 : vector<200x128xf32>
    %reduce_sum3A_54 = arith.constant dense<0.000000e+00> : vector<200xf32>
    %reduce_sum3A_55 = vector.multi_reduction <add>, %mul3A_53, %reduce_sum3A_54 [1] : vector<200x128xf32> to vector<200xf32>
    %broadcast_in_dim3A_56 = vector.shape_cast %reduce_sum3A_55 : vector<200xf32> to vector<200x1xf32>
    %div3A_57 = arith.constant 1.280000e+02 : f32
    %div3A_58 = vector.broadcast %div3A_57 : f32 to vector<200x1xf32>
    %div3A_59 = arith.divf %broadcast_in_dim3A_56, %div3A_58 : vector<200x1xf32>
    %sub3A_60 = vector.broadcast %div3A_48 : vector<200x1xf32> to vector<200x128xf32>
    %sub3A_61 = arith.subf %max3A_45, %sub3A_60 : vector<200x128xf32>
    %add3A_62 = arith.constant 9.99999974E-6 : f32
    %add3A_63 = vector.broadcast %add3A_62 : f32 to vector<200x1xf32>
    %add3A_64 = arith.addf %div3A_59, %add3A_63 : vector<200x1xf32>
    %rsqrt3A = math.rsqrt %add3A_64 : vector<200x1xf32>
    %mul3A_65 = vector.broadcast %rsqrt3A : vector<200x1xf32> to vector<200x128xf32>
    %mul3A_66 = arith.mulf %sub3A_61, %mul3A_65 : vector<200x128xf32>
    %get3A_67 = arith.constant 0 : index
    %get3A_68 = arith.constant 0 : index
    %get3A_69 = vector.load %arg11[%get3A_67, %get3A_68] : memref<1x128xf32, #tpu.memory_space<vmem>>, vector<1x128xf32>
    %mul3A_70 = vector.broadcast %get3A_69 : vector<1x128xf32> to vector<200x128xf32>
    %mul3A_71 = arith.mulf %mul3A_66, %mul3A_70 : vector<200x128xf32>
    %get3A_72 = arith.constant 0 : index
    %get3A_73 = arith.constant 0 : index
    %get3A_74 = vector.load %arg12[%get3A_72, %get3A_73] : memref<1x128xf32, #tpu.memory_space<vmem>>, vector<1x128xf32>
    %add3A_75 = vector.broadcast %get3A_74 : vector<1x128xf32> to vector<200x128xf32>
    %add3A_76 = arith.addf %mul3A_71, %add3A_75 : vector<200x128xf32>
    %swap3A = arith.constant 0 : index
    %swap3A_77 = arith.constant 0 : index
    %swap3A_78 = vector.load %arg13[%swap3A, %swap3A_77] : memref<200x128xf32, #tpu.memory_space<vmem>>, vector<200x128xf32>
    tpu.vector_store %arg13[%swap3A, %swap3A_77], %add3A_76 {strides = array<i32>} : memref<200x128xf32, #tpu.memory_space<vmem>>, vector<200x128xf32>,
    %mul3A_79 = vector.broadcast %get3A_4 : vector<200x1xf32> to vector<200x128xf32>
    %mul3A_80 = arith.mulf %mul3A_79, %add3A_76 : vector<200x128xf32>
    %swap3A_81 = arith.constant 0 : index
    %swap3A_82 = arith.constant 0 : index
    %swap3A_83 = vector.load %arg14[%swap3A_81, %swap3A_82] : memref<200x128xf32, #tpu.memory_space<vmem>>, vector<200x128xf32>
    tpu.vector_store %arg14[%swap3A_81, %swap3A_82], %mul3A_80 {strides = array<i32>} : memref<200x128xf32, #tpu.memory_space<vmem>>, vector<200x128xf32>,
    %mul3A_84 = vector.broadcast %get3A_1 : vector<200x1xf32> to vector<200x128xf32>
    %mul3A_85 = arith.mulf %mul3A_84, %add3A_76 : vector<200x128xf32>
    %swap3A_86 = arith.constant 0 : index
    %swap3A_87 = arith.constant 0 : index
    %swap3A_88 = vector.load %arg15[%swap3A_86, %swap3A_87] : memref<200x128xf32, #tpu.memory_space<vmem>>, vector<200x128xf32>
    tpu.vector_store %arg15[%swap3A_86, %swap3A_87], %mul3A_85 {strides = array<i32>} : memref<200x128xf32, #tpu.memory_space<vmem>>, vector<200x128xf32>,
    return
  }
  func.func @transform_0(%arg0: i32) -> (i32, i32) {
    %c0_i32 = arith.constant 0 : i32
    %c0_i32_0 = arith.constant 0 : i32
    return %arg0, %c0_i32 : i32, i32
  }
  func.func @transform_1(%arg0: i32) -> (i32, i32) {
    %c0_i32 = arith.constant 0 : i32
    %c0_i32_0 = arith.constant 0 : i32
    return %arg0, %c0_i32 : i32, i32
  }
  func.func @transform_2(%arg0: i32) -> (i32, i32) {
    %c0_i32 = arith.constant 0 : i32
    %c0_i32_0 = arith.constant 0 : i32
    return %arg0, %c0_i32 : i32, i32
  }
  func.func @transform_3(%arg0: i32) -> (i32, i32) {
    %c0_i32 = arith.constant 0 : i32
    %c0_i32_0 = arith.constant 0 : i32
    return %arg0, %c0_i32 : i32, i32
  }
  func.func @transform_4(%arg0: i32) -> (i32, i32) {
    %c0_i32 = arith.constant 0 : i32
    %c0_i32_0 = arith.constant 0 : i32
    return %arg0, %c0_i32 : i32, i32
  }
  func.func @transform_5(%arg0: i32) -> (i32, i32) {
    %c0_i32 = arith.constant 0 : i32
    %c0_i32_0 = arith.constant 0 : i32
    %c0_i32_1 = arith.constant 0 : i32
    return %c0_i32, %c0_i32_0 : i32, i32
  }
  func.func @transform_6(%arg0: i32) -> (i32, i32) {
    %c0_i32 = arith.constant 0 : i32
    %c0_i32_0 = arith.constant 0 : i32
    %c0_i32_1 = arith.constant 0 : i32
    return %c0_i32, %c0_i32_0 : i32, i32
  }
  func.func @transform_7(%arg0: i32) -> (i32, i32) {
    %c0_i32 = arith.constant 0 : i32
    %c0_i32_0 = arith.constant 0 : i32
    %c0_i32_1 = arith.constant 0 : i32
    return %c0_i32, %c0_i32_0 : i32, i32
  }
  func.func @transform_8(%arg0: i32) -> (i32, i32) {
    %c0_i32 = arith.constant 0 : i32
    %c0_i32_0 = arith.constant 0 : i32
    %c0_i32_1 = arith.constant 0 : i32
    return %c0_i32, %c0_i32_0 : i32, i32
  }
  func.func @transform_9(%arg0: i32) -> (i32, i32) {
    %c0_i32 = arith.constant 0 : i32
    %c0_i32_0 = arith.constant 0 : i32
    %c0_i32_1 = arith.constant 0 : i32
    return %c0_i32, %c0_i32_0 : i32, i32
  }
  func.func @transform_10(%arg0: i32) -> (i32, i32) {
    %c0_i32 = arith.constant 0 : i32
    %c0_i32_0 = arith.constant 0 : i32
    %c0_i32_1 = arith.constant 0 : i32
    return %c0_i32, %c0_i32_0 : i32, i32
  }
  func.func @transform_11(%arg0: i32) -> (i32, i32) {
    %c0_i32 = arith.constant 0 : i32
    %c0_i32_0 = arith.constant 0 : i32
    %c0_i32_1 = arith.constant 0 : i32
    return %c0_i32, %c0_i32_0 : i32, i32
  }
  func.func @transform_12(%arg0: i32) -> (i32, i32) {
    %c0_i32 = arith.constant 0 : i32
    %c0_i32_0 = arith.constant 0 : i32
    return %arg0, %c0_i32 : i32, i32
  }
  func.func @transform_13(%arg0: i32) -> (i32, i32) {
    %c0_i32 = arith.constant 0 : i32
    %c0_i32_0 = arith.constant 0 : i32
    return %arg0, %c0_i32 : i32, i32
  }
  func.func @transform_14(%arg0: i32) -> (i32, i32) {
    %c0_i32 = arith.constant 0 : i32
    %c0_i32_0 = arith.constant 0 : i32
    return %arg0, %c0_i32 : i32, i32
  }
}

module attributes {stable_mosaic.version = 14 : i64} {
  func.func @tc_dense(%arg0: i32, %arg1: memref<200x128xf32, #tpu.memory_space<vmem>>, %arg2: memref<200x128xf32, #tpu.memory_space<vmem>>, %arg3: memref<200x128xf32, #tpu.memory_space<vmem>>, %arg4: memref<200x1xf32, #tpu.memory_space<vmem>>, %arg5: memref<200x1xf32, #tpu.memory_space<vmem>>, %arg6: memref<128x128xf32, #tpu.memory_space<vmem>>, %arg7: memref<128x128xf32, #tpu.memory_space<vmem>>, %arg8: memref<128x128xf32, #tpu.memory_space<vmem>>, %arg9: memref<1x128xf32, #tpu.memory_space<vmem>>, %arg10: memref<1x128xf32, #tpu.memory_space<vmem>>, %arg11: memref<1x128xf32, #tpu.memory_space<vmem>>, %arg12: memref<1x128xf32, #tpu.memory_space<vmem>>, %arg13: memref<200x128xf32, #tpu.memory_space<vmem>>) attributes {dimension_semantics = [#tpu.dimension_semantics<arbitrary>], iteration_bounds = array<i64: 50>, scalar_prefetch = 0 : i64, scratch_operands = 0 : i64, tpu.core_type = #tpu.core_type<tc>, window_params = [{transform_indices = @transform_0, window_bounds = array<i64: 200, 128>}, {transform_indices = @transform_1, window_bounds = array<i64: 200, 128>}, {transform_indices = @transform_2, window_bounds = array<i64: 200, 128>}, {transform_indices = @transform_3, window_bounds = array<i64: 200, 1>}, {transform_indices = @transform_4, window_bounds = array<i64: 200, 1>}, {pipeline_mode = #tpu.pipeline_mode<synchronous>, transform_indices = @transform_5, window_bounds = array<i64: 128, 128>}, {pipeline_mode = #tpu.pipeline_mode<synchronous>, transform_indices = @transform_6, window_bounds = array<i64: 128, 128>}, {pipeline_mode = #tpu.pipeline_mode<synchronous>, transform_indices = @transform_7, window_bounds = array<i64: 128, 128>}, {pipeline_mode = #tpu.pipeline_mode<synchronous>, transform_indices = @transform_8, window_bounds = array<i64: 1, 128>}, {pipeline_mode = #tpu.pipeline_mode<synchronous>, transform_indices = @transform_9, window_bounds = array<i64: 1, 128>}, {pipeline_mode = #tpu.pipeline_mode<synchronous>, transform_indices = @transform_10, window_bounds = array<i64: 1, 128>}, {pipeline_mode = #tpu.pipeline_mode<synchronous>, transform_indices = @transform_11, window_bounds = array<i64: 1, 128>}, {transform_indices = @transform_12, window_bounds = array<i64: 200, 128>}]} {
    %get3A = arith.constant 0 : index
    %get3A_0 = arith.constant 0 : index
    %get3A_1 = vector.load %arg4[%get3A, %get3A_0] : memref<200x1xf32, #tpu.memory_space<vmem>>, vector<200x1xf32>
    %get3A_2 = arith.constant 0 : index
    %get3A_3 = arith.constant 0 : index
    %get3A_4 = vector.load %arg5[%get3A_2, %get3A_3] : memref<200x1xf32, #tpu.memory_space<vmem>>, vector<200x1xf32>
    %get3A_5 = arith.constant 0 : index
    %get3A_6 = arith.constant 0 : index
    %get3A_7 = vector.load %arg1[%get3A_5, %get3A_6] : memref<200x128xf32, #tpu.memory_space<vmem>>, vector<200x128xf32>
    %get3A_8 = arith.constant 0 : index
    %get3A_9 = arith.constant 0 : index
    %get3A_10 = vector.load %arg6[%get3A_8, %get3A_9] : memref<128x128xf32, #tpu.memory_space<vmem>>, vector<128x128xf32>
    %dot_general3A = arith.constant dense<0.000000e+00> : vector<200x128xf32>
    %dot_general3A_11 = tpu.matmul %get3A_7, %get3A_10, %dot_general3A {dimension_numbers = #tpu.dot_dimension_numbers<[1], [1], [0], [0], [0, 0, 1, 0], [], []>, transpose_lhs_hint = false} : vector<200x128xf32>, vector<128x128xf32>, vector<200x128xf32> -> vector<200x128xf32>
    %mul3A = vector.broadcast %get3A_1 : vector<200x1xf32> to vector<200x128xf32>
    %mul3A_12 = arith.mulf %mul3A, %dot_general3A_11 : vector<200x128xf32>
    %get3A_13 = arith.constant 0 : index
    %get3A_14 = arith.constant 0 : index
    %get3A_15 = vector.load %arg2[%get3A_13, %get3A_14] : memref<200x128xf32, #tpu.memory_space<vmem>>, vector<200x128xf32>
    %get3A_16 = arith.constant 0 : index
    %get3A_17 = arith.constant 0 : index
    %get3A_18 = vector.load %arg7[%get3A_16, %get3A_17] : memref<128x128xf32, #tpu.memory_space<vmem>>, vector<128x128xf32>
    %dot_general3A_19 = arith.constant dense<0.000000e+00> : vector<200x128xf32>
    %dot_general3A_20 = tpu.matmul %get3A_15, %get3A_18, %dot_general3A_19 {dimension_numbers = #tpu.dot_dimension_numbers<[1], [1], [0], [0], [0, 0, 1, 0], [], []>, transpose_lhs_hint = false} : vector<200x128xf32>, vector<128x128xf32>, vector<200x128xf32> -> vector<200x128xf32>
    %mul3A_21 = vector.broadcast %get3A_4 : vector<200x1xf32> to vector<200x128xf32>
    %mul3A_22 = arith.mulf %mul3A_21, %dot_general3A_20 : vector<200x128xf32>
    %get3A_23 = arith.constant 0 : index
    %get3A_24 = arith.constant 0 : index
    %get3A_25 = vector.load %arg3[%get3A_23, %get3A_24] : memref<200x128xf32, #tpu.memory_space<vmem>>, vector<200x128xf32>
    %get3A_26 = arith.constant 0 : index
    %get3A_27 = arith.constant 0 : index
    %get3A_28 = vector.load %arg9[%get3A_26, %get3A_27] : memref<1x128xf32, #tpu.memory_space<vmem>>, vector<1x128xf32>
    %sub3A = vector.broadcast %get3A_28 : vector<1x128xf32> to vector<200x128xf32>
    %sub3A_29 = arith.subf %get3A_25, %sub3A : vector<200x128xf32>
    %get3A_30 = arith.constant 0 : index
    %get3A_31 = arith.constant 0 : index
    %get3A_32 = vector.load %arg8[%get3A_30, %get3A_31] : memref<128x128xf32, #tpu.memory_space<vmem>>, vector<128x128xf32>
    %dot_general3A_33 = arith.constant dense<0.000000e+00> : vector<200x128xf32>
    %dot_general3A_34 = tpu.matmul %sub3A_29, %get3A_32, %dot_general3A_33 {dimension_numbers = #tpu.dot_dimension_numbers<[1], [1], [0], [0], [0, 0, 1, 0], [], []>, transpose_lhs_hint = false} : vector<200x128xf32>, vector<128x128xf32>, vector<200x128xf32> -> vector<200x128xf32>
    %add3A = arith.addf %mul3A_12, %mul3A_22 : vector<200x128xf32>
    %add3A_35 = arith.addf %add3A, %dot_general3A_34 : vector<200x128xf32>
    %mul3A_36 = arith.constant 0.333333343 : f32
    %mul3A_37 = vector.broadcast %mul3A_36 : f32 to vector<200x128xf32>
    %mul3A_38 = arith.mulf %add3A_35, %mul3A_37 : vector<200x128xf32>
    %get3A_39 = arith.constant 0 : index
    %get3A_40 = arith.constant 0 : index
    %get3A_41 = vector.load %arg10[%get3A_39, %get3A_40] : memref<1x128xf32, #tpu.memory_space<vmem>>, vector<1x128xf32>
    %add3A_42 = vector.broadcast %get3A_41 : vector<1x128xf32> to vector<200x128xf32>
    %add3A_43 = arith.addf %mul3A_38, %add3A_42 : vector<200x128xf32>
    %max3A = arith.constant 0.000000e+00 : f32
    %max3A_44 = vector.broadcast %max3A : f32 to vector<200x128xf32>
    %max3A_45 = arith.maximumf %add3A_43, %max3A_44 : vector<200x128xf32>
    %reduce_sum3A = arith.constant dense<0.000000e+00> : vector<200xf32>
    %reduce_sum3A_46 = vector.multi_reduction <add>, %max3A_45, %reduce_sum3A [1] : vector<200x128xf32> to vector<200xf32>
    %broadcast_in_dim3A = vector.shape_cast %reduce_sum3A_46 : vector<200xf32> to vector<200x1xf32>
    %div3A = arith.constant 1.280000e+02 : f32
    %div3A_47 = vector.broadcast %div3A : f32 to vector<200x1xf32>
    %div3A_48 = arith.divf %broadcast_in_dim3A, %div3A_47 : vector<200x1xf32>
    %sub3A_49 = vector.broadcast %div3A_48 : vector<200x1xf32> to vector<200x128xf32>
    %sub3A_50 = arith.subf %max3A_45, %sub3A_49 : vector<200x128xf32>
    %sub3A_51 = vector.broadcast %div3A_48 : vector<200x1xf32> to vector<200x128xf32>
    %sub3A_52 = arith.subf %max3A_45, %sub3A_51 : vector<200x128xf32>
    %mul3A_53 = arith.mulf %sub3A_50, %sub3A_52 : vector<200x128xf32>
    %reduce_sum3A_54 = arith.constant dense<0.000000e+00> : vector<200xf32>
    %reduce_sum3A_55 = vector.multi_reduction <add>, %mul3A_53, %reduce_sum3A_54 [1] : vector<200x128xf32> to vector<200xf32>
    %broadcast_in_dim3A_56 = vector.shape_cast %reduce_sum3A_55 : vector<200xf32> to vector<200x1xf32>
    %div3A_57 = arith.constant 1.280000e+02 : f32
    %div3A_58 = vector.broadcast %div3A_57 : f32 to vector<200x1xf32>
    %div3A_59 = arith.divf %broadcast_in_dim3A_56, %div3A_58 : vector<200x1xf32>
    %sub3A_60 = vector.broadcast %div3A_48 : vector<200x1xf32> to vector<200x128xf32>
    %sub3A_61 = arith.subf %max3A_45, %sub3A_60 : vector<200x128xf32>
    %add3A_62 = arith.constant 9.99999974E-6 : f32
    %add3A_63 = vector.broadcast %add3A_62 : f32 to vector<200x1xf32>
    %add3A_64 = arith.addf %div3A_59, %add3A_63 : vector<200x1xf32>
    %rsqrt3A = math.rsqrt %add3A_64 : vector<200x1xf32>
    %mul3A_65 = vector.broadcast %rsqrt3A : vector<200x1xf32> to vector<200x128xf32>
    %mul3A_66 = arith.mulf %sub3A_61, %mul3A_65 : vector<200x128xf32>
    %get3A_67 = arith.constant 0 : index
    %get3A_68 = arith.constant 0 : index
    %get3A_69 = vector.load %arg11[%get3A_67, %get3A_68] : memref<1x128xf32, #tpu.memory_space<vmem>>, vector<1x128xf32>
    %mul3A_70 = vector.broadcast %get3A_69 : vector<1x128xf32> to vector<200x128xf32>
    %mul3A_71 = arith.mulf %mul3A_66, %mul3A_70 : vector<200x128xf32>
    %get3A_72 = arith.constant 0 : index
    %get3A_73 = arith.constant 0 : index
    %get3A_74 = vector.load %arg12[%get3A_72, %get3A_73] : memref<1x128xf32, #tpu.memory_space<vmem>>, vector<1x128xf32>
    %add3A_75 = vector.broadcast %get3A_74 : vector<1x128xf32> to vector<200x128xf32>
    %add3A_76 = arith.addf %mul3A_71, %add3A_75 : vector<200x128xf32>
    %swap3A = arith.constant 0 : index
    %swap3A_77 = arith.constant 0 : index
    %swap3A_78 = vector.load %arg13[%swap3A, %swap3A_77] : memref<200x128xf32, #tpu.memory_space<vmem>>, vector<200x128xf32>
    tpu.vector_store %arg13[%swap3A, %swap3A_77], %add3A_76 {strides = array<i32>} : memref<200x128xf32, #tpu.memory_space<vmem>>, vector<200x128xf32>,
    return
  }
  func.func @transform_0(%arg0: i32) -> (i32, i32) {
    %c0_i32 = arith.constant 0 : i32
    %c0_i32_0 = arith.constant 0 : i32
    return %arg0, %c0_i32 : i32, i32
  }
  func.func @transform_1(%arg0: i32) -> (i32, i32) {
    %c0_i32 = arith.constant 0 : i32
    %c0_i32_0 = arith.constant 0 : i32
    return %arg0, %c0_i32 : i32, i32
  }
  func.func @transform_2(%arg0: i32) -> (i32, i32) {
    %c0_i32 = arith.constant 0 : i32
    %c0_i32_0 = arith.constant 0 : i32
    return %arg0, %c0_i32 : i32, i32
  }
  func.func @transform_3(%arg0: i32) -> (i32, i32) {
    %c0_i32 = arith.constant 0 : i32
    %c0_i32_0 = arith.constant 0 : i32
    return %arg0, %c0_i32 : i32, i32
  }
  func.func @transform_4(%arg0: i32) -> (i32, i32) {
    %c0_i32 = arith.constant 0 : i32
    %c0_i32_0 = arith.constant 0 : i32
    return %arg0, %c0_i32 : i32, i32
  }
  func.func @transform_5(%arg0: i32) -> (i32, i32) {
    %c0_i32 = arith.constant 0 : i32
    %c0_i32_0 = arith.constant 0 : i32
    %c0_i32_1 = arith.constant 0 : i32
    return %c0_i32, %c0_i32_0 : i32, i32
  }
  func.func @transform_6(%arg0: i32) -> (i32, i32) {
    %c0_i32 = arith.constant 0 : i32
    %c0_i32_0 = arith.constant 0 : i32
    %c0_i32_1 = arith.constant 0 : i32
    return %c0_i32, %c0_i32_0 : i32, i32
  }
  func.func @transform_7(%arg0: i32) -> (i32, i32) {
    %c0_i32 = arith.constant 0 : i32
    %c0_i32_0 = arith.constant 0 : i32
    %c0_i32_1 = arith.constant 0 : i32
    return %c0_i32, %c0_i32_0 : i32, i32
  }
  func.func @transform_8(%arg0: i32) -> (i32, i32) {
    %c0_i32 = arith.constant 0 : i32
    %c0_i32_0 = arith.constant 0 : i32
    %c0_i32_1 = arith.constant 0 : i32
    return %c0_i32, %c0_i32_0 : i32, i32
  }
  func.func @transform_9(%arg0: i32) -> (i32, i32) {
    %c0_i32 = arith.constant 0 : i32
    %c0_i32_0 = arith.constant 0 : i32
    %c0_i32_1 = arith.constant 0 : i32
    return %c0_i32, %c0_i32_0 : i32, i32
  }
  func.func @transform_10(%arg0: i32) -> (i32, i32) {
    %c0_i32 = arith.constant 0 : i32
    %c0_i32_0 = arith.constant 0 : i32
    %c0_i32_1 = arith.constant 0 : i32
    return %c0_i32, %c0_i32_0 : i32, i32
  }
  func.func @transform_11(%arg0: i32) -> (i32, i32) {
    %c0_i32 = arith.constant 0 : i32
    %c0_i32_0 = arith.constant 0 : i32
    %c0_i32_1 = arith.constant 0 : i32
    return %c0_i32, %c0_i32_0 : i32, i32
  }
  func.func @transform_12(%arg0: i32) -> (i32, i32) {
    %c0_i32 = arith.constant 0 : i32
    %c0_i32_0 = arith.constant 0 : i32
    return %arg0, %c0_i32 : i32, i32
  }
}

</mosaic_0001>

<sc_bundles>
// kernel: sc_degrees.3.cloned.1.call-start
scs
__scs_entry_jumppad:
0x0: {  	(pc) =	sbr.rel $0x88, $3  }
0x1: {  	(tag) =	ssettag $0x0;
	lr =	simm.s32 $0x1  }
0x2: {  	[smem:$0x3F8A] =	sst lr;
	_ =	strace $0xD0000000  }
0x3: {  	_ = 	snop  }
0x4: {  	_ = 	snop  }
0x5: {  	_ = 	snop  }
0x6: {  	_ = 	snop  }
0x7: {  	_ = 	snop  }
__scs_overlays_trampoline_lowered:
0x8: {  	[smem:$0x3F99] =	sst s0  }
0x9: {  	[smem:$0x3F9A] =	sst s1  }
0xa: {  	[smem:$0x3F9B] =	sst s2  }
0xb: {  	[smem:$0x3F9C] =	sst s3  }
0xc: {  	[smem:$0x3F9D] =	sst s4  }
0xd: {  	[smem:$0x3F9E] =	sst s5  }
0xe: {  	[smem:$0x3F9F] =	sst s6  }
0xf: {  	[smem:$0x3FA0] =	sst s7  }
0x10: {  	[smem:$0x3FA1] =	sst s8  }
0x11: {  	[smem:$0x3FA2] =	sst s9;
	s0 =	simm.s32 @!p0 $0x0  }
0x12: {  	s1 =	sld [smem:$0x3F88];
	s0 =	simm.s32 @p0 $0x1  }
0x13: {  	[smem:$0x3FA3] =	sst s0;
	s0 =	simm.s32 @!p1 $0x0  }
0x14: {  	s2 =	sld [smem:$0x3F87];
	s0 =	simm.s32 @p1 $0x1  }
0x15: {  	[smem:$0x3FA4] =	sst s0;
	s0 =	simm.s32 @!p2 $0x0  }
0x16: {  	s3 =	sld [smem:$0x3FDB];
	s0 =	simm.s32 @p2 $0x1  }
0x17: {  	s4 =	simm.s32 $0x1BF5;
	[smem:$0x3FA6] =	sst s0  }
0x18: {  	s0 =	sld [smem:$0x3F89];
	_ =	swait.ge [sflag:s4], $0x0  }
0x19: {  	s7 =	sld [smem:$0x3F8A]  }
0x1a: {  	s8 =	sadd.s32 $0xFFFFE003, lr  }
0x1b: {  	s9 =	sadd.s32 $0xFFFFFEF7, lr;
	s5 =	simm.s32 $0xFFFFFFFF;
	p2 =	slt.u32 s8, $0xFFFFF086  }
0x1c: {  	p1 =	slt.u32 s9, $0xF7A;
	s5 =	simm.s32 @!p2 $0x0  }
0x1d: {  	s5 =	simm.s32 @p1 $0x1;
	p0 =	seq.s32 s7, s2  }
0x1e: {  	s7 =	smul.u32 @!p0 $0xF7A, s2;
	p2 =	seq.s32 @!p0 s5, $0x0  }
0x1f: {  	s9 =	smul.u32 $0xF7A, s1;
	s8 =	simm.s32 @!p0 $0x1BF5;
	p2 =	por !p2, p0  }
0x20: {  	[sflag:s8] =	ssyncset.s32 @!p0 $0xFFFFF086;
	s6 =	sadd.s32 @!p0 s3, s7;
	s7 =	simm.s32 @!p0 $0x108  }
0x21: {  	s3 =	sadd.s32 s3, s9;
	s6 =	sadd.s32 @!p0 $0x88, s6;
	s7 =	simm.s32 @p2 $0x1082  }
0x22: {  	[simem:s7], [sflag:s8] =	dma.local @!p0 [hbm:s6], $0xF7A  }
0x23: {  	s9 =	sor.u32 $0xD0000000, s2;
	s6 =	simm.s32 $0x108;
	_ =	swait.ge @!p0 [sflag:s8], $0x0  }
0x24: {  	s3 =	sadd.s32 $0x88, s3;
	s6 =	simm.s32 @!p1 $0x1082;
	[sflag:s4] =	ssyncset.s32 $0xFFFFF086  }
0x25: {  	[simem:s6], [sflag:s4] =	dma.local [hbm:s3], $0xF7A  }
0x26: {  	[smem:$0x3F8A] =	sst s1;
	(tag) =	ssettag s2;
	_ =	strace s9  }
0x27: {  	s1 =	sld [smem:$0x3F9A]  }
0x28: {  	s2 =	sld [smem:$0x3F9B]  }
0x29: {  	s4 =	sld [smem:$0x3F9D]  }
0x2a: {  	p0 =	seq.s32 s5, $0x0;
	s5 =	sld [smem:$0x3F9E]  }
0x2b: {  	s6 =	sld [smem:$0x3F9F]  }
0x2c: {  	s7 =	sld [smem:$0x3FA0]  }
0x2d: {  	s3 =	simm.s32 $0x108;
	s8 =	sld [smem:$0x3FA1]  }
0x2e: {  	s3 =	simm.s32 @!p0 $0x1082;
	s9 =	sld [smem:$0x3FA2]  }
0x2f: {  	lr =	sadd.s32 s0, s3;
	s0 =	sld [smem:$0x3F99]  }
0x30: {  	s3 =	sld [smem:$0x3F9C]  }
0x31: {  	[smem:$0x3FA5] =	sst s10  }
0x32: {  	s10 =	sld [smem:$0x3FA3];
	_ =	sdelay $0x3  }
0x33: {  	p0 =	seq.s32 s10, $0x1;
	s10 =	sld [smem:$0x3FA5];
	_ =	sdelay $0x3  }
0x34: {  	[smem:$0x3FA5] =	sst s10  }
0x35: {  	s10 =	sld [smem:$0x3FA4];
	_ =	sdelay $0x3  }
0x36: {  	p1 =	seq.s32 s10, $0x1;
	s10 =	sld [smem:$0x3FA5];
	_ =	sdelay $0x3  }
0x37: {  	[smem:$0x3FA5] =	sst s10  }
0x38: {  	s10 =	sld [smem:$0x3FA6]  }
0x39: {  	_ = 	snop;
	(pc) =	sbr.ind lr, $3  }
0x3a: {  	_ = 	snop  }
0x3b: {  	_ = 	snop  }
0x3c: {  	p2 =	seq.s32 s10, $0x1;
	s10 =	sld [smem:$0x3FA5]  }
0x3d: {  	_ =	shalt  }
0x3e: {  	_ =	shalt  }
0x3f: {  	_ =	shalt  }
0x40: {  	_ =	shalt  }
0x41: {  	_ =	shalt  }
0x42: {  	_ =	shalt  }
0x43: {  	_ =	shalt  }
0x44: {  	_ =	shalt  }
0x45: {  	_ =	shalt  }
0x46: {  	_ =	shalt  }
0x47: {  	_ =	shalt  }
0x48: {  	_ =	shalt  }
0x49: {  	_ =	shalt  }
0x4a: {  	_ =	shalt  }
0x4b: {  	_ =	shalt  }
0x4c: {  	_ =	shalt  }
0x4d: {  	_ =	shalt  }
0x4e: {  	_ =	shalt  }
0x4f: {  	_ =	shalt  }
0x50: {  	_ =	shalt  }
0x51: {  	_ =	shalt  }
0x52: {  	_ =	shalt  }
0x53: {  	_ =	shalt  }
0x54: {  	_ =	shalt  }
0x55: {  	_ =	shalt  }
0x56: {  	_ =	shalt  }
0x57: {  	_ =	shalt  }
0x58: {  	_ =	shalt  }
0x59: {  	_ =	shalt  }
0x5a: {  	_ =	shalt  }
0x5b: {  	_ =	shalt  }
0x5c: {  	_ =	shalt  }
0x5d: {  	_ =	shalt  }
0x5e: {  	_ =	shalt  }
0x5f: {  	_ =	shalt  }
0x60: {  	_ =	shalt  }
0x61: {  	_ =	shalt  }
0x62: {  	_ =	shalt  }
0x63: {  	_ =	shalt  }
0x64: {  	_ =	shalt  }
0x65: {  	_ =	shalt  }
0x66: {  	_ =	shalt  }
0x67: {  	_ =	shalt  }
0x68: {  	_ =	shalt  }
0x69: {  	_ =	shalt  }
0x6a: {  	_ =	shalt  }
0x6b: {  	_ =	shalt  }
0x6c: {  	_ =	shalt  }
0x6d: {  	_ =	shalt  }
0x6e: {  	_ =	shalt  }
0x6f: {  	_ =	shalt  }
0x70: {  	_ =	shalt  }
0x71: {  	_ =	shalt  }
0x72: {  	_ =	shalt  }
0x73: {  	_ =	shalt  }
0x74: {  	_ =	shalt  }
0x75: {  	_ =	shalt  }
0x76: {  	_ =	shalt  }
0x77: {  	_ =	shalt  }
0x78: {  	_ =	shalt  }
0x79: {  	_ =	shalt  }
0x7a: {  	_ =	shalt  }
0x7b: {  	_ =	shalt  }
0x7c: {  	_ =	shalt  }
0x7d: {  	_ =	shalt  }
0x7e: {  	_ =	shalt  }
0x7f: {  	_ =	shalt  }
0x80: {  	_ =	shalt  }
0x81: {  	_ =	shalt  }
0x82: {  	_ =	shalt  }
0x83: {  	_ =	shalt  }
0x84: {  	_ =	shalt  }
0x85: {  	_ =	shalt  }
0x86: {  	_ =	shalt  }
0x87: {  	_ =	shalt  }
.Lfunc_end0:
.L_simem_size_0:
called_computation_lowered:
.L_overlay_start_0:
0x88: {  	s2 =	sld [smem:$0x3FD9]  }
0x89: {  	s3 =	sld [smem:$0x3FFE];
	_ =	sdelay $0x1  }
0x8a: {  	s1 =	srdreg.scid  }
0x8b: {  	s0 =	sand.u32 $0x1, s1  }
0x8c: {  	s17 =	sshll.u32 s0, $0xA;
	s2 =	sadd.s32 s3, s2  }
0x8d: {  	s2 =	sadd.s32 s2, s17  }
0x8e: {  	[smem:$0x3FB1] =	sst s2  }
0x8f: {  	_ = 	snop  }
0x90: {  	s2 =	sld [smem:$0x3FD0];
	(tm) =	ssettm $0x1  }
0x91: {  	s18 =	sld [smem:$0x3FFB];
	_ =	sdelay $0x3  }
0x92: {  	_ =	strace s18  }
0x93: {  	s3 =	sld [smem:$0x3FFC];
	_ =	sdelay $0x3  }
0x94: {  	_ =	strace s3  }
0x95: {  	s3 =	sld [smem:$0x3FFD];
	_ =	sdelay $0x3  }
0x96: {  	_ =	strace s3  }
0x97: {  	_ =	strace $0x8FFFFFFF  }
0x98: {  	s19 =	sld [smem:$0x3FDB];
	_ =	sdelay $0x1  }
0x99: {  	s4 =	simm.s32 $_scs_section_size  }
0x9a: {  	s5 =	simm.s32 $_size__tile_overlayer_lowered;
	s6 =	simm.s32 $_tile_overlayer_lowered  }
0x9b: {  	s22 =	simm.s32 $0x1BFF;
	s21 =	sshll.u32 s6, $0x1;
	s3 =	sadd.s32 s4, s19  }
0x9c: {  	s7 =	simm.s32 $0x0;
	s20 =	sshll.u32 s5, $0x1;
	s5 =	sadd.s32 s21, s3  }
0x9d: {  	[timem:s7], [sflag:s22] =	dma.local [hbm:s5], s20  }
0x9e: {  	_ =	swait.ge [sflag:s22], s20  }
0x9f: {  	s4 =	ssub.s32 $0x0, s20;
	[sflag:s22] =	ssyncset.done $0x0  }
0xa0: {  	[sflag:s22] =	ssyncadd.s32 s4;
	_ =	sdelay $0x1  }
0xa1: {  	s23 =	simm.s32 $0x1B8B  }
0xa2: {  	_ =	swait.ge [sflag:s23], $0x1  }
0xa3: {  	[sflag:s23] =	ssyncset.done $0x0  }
0xa4: {  	s25 =	simm.s32 $0x1B8E;
	s24 =	sld [smem:$0x3FFE];
	[sflag:s23] =	ssyncadd.s32 $0xFFFFFFFF  }
0xa5: {  	s26 =	simm.s32 $execute0_lowered;
	[smem:$0x3FD2] =	sst s25  }
0xa6: {  	s5 =	sshll.u32 s26, $0x1;
	_ =	strace $0x80000046;
	[dreg:$0x1] =	wrdreg $0xFFFFFFFF  }
0xa7: {  	s28 =	simm.s32 $_size_execute0_lowered;
	s3 =	sadd.s32 s3, s5;
	[dreg:$0x0] =	wrdreg $0x0  }
0xa8: {  	s5 =	sshll.u32 s28, $0x1;
	[dreg:$0x2] =	wrdreg s3  }
0xa9: {  	[dreg:$0x3] =	wrdreg s5  }
0xaa: {  	[dreg:$0x4] =	wrdreg $0xC0  }
0xab: {  	_ =	task [dreg:s7], $0x5FFFF  }
0xac: {  	[dreg:$0x1] =	wrdreg $0xFFFFFFFF  }
0xad: {  	[dreg:$0x0] =	wrdreg $0x60  }
0xae: {  	[dreg:$0x2] =	wrdreg s24  }
0xaf: {  	[dreg:$0x3] =	wrdreg s2  }
0xb0: {  	[dreg:$0x4] =	wrdreg $0x0  }
0xb1: {  	[dreg:$0x5] =	wrdreg $0x9  }
0xb2: {  	_ =	task.clear_ibuf [dreg:s7], $0x6FFFF;
	_ =	strace $0x90000046  }
0xb3: {  	s29 =	simm.s32 $0x9;
	_ =	strace $0x80000048  }
0xb4: {  	_ =	swait.ge [sflag:s29], $0x1  }
0xb5: {  	[sflag:s29] =	ssyncadd.s32 $0xFFFFFFFF  }
0xb6: {  	_ =	strace $0x90000048  }
0xb7: {  	_ =	sfence  }
0xb8: {  	s30 =	sld [smem:$0x0];
	_ =	sdelay $0x2  }
0xb9: {  	s31 =	sshll.u32 s1, $0xD;
	s1 =	sshrl.u32 s1, $0x2  }
0xba: {  	s3 =	sand.u32 $0x4000, s31;
	s1 =	sadd.s32 s1, s30  }
0xbb: {  	s0 =	sor.u32 s3, s0;
	s1 =	sshll.u32 s1, $0x11  }
0xbc: {  	s0 =	sor.u32 s1, s0  }
0xbd: {  	s0 =	sadd.s32 $0x8F2B, s0  }
0xbe: {  	[sflag:s0] =	ssyncadd.remote.s32 $0x1  }
0xbf: {  	_ =	sfence.sel $0xFFFF  }
0xc0: {  	[dreg:$0x0] =	wrdreg $0xFFFFFFFF;
	(pc) =	sbr.abs _section_cstart, $3  }
0xc1: {  	[dreg:$0x1] =	wrdreg $0xFFFFFFFF  }
0xc2: {  	_ =	task.clear_ibuf [dreg:s7], $0x2FFFF;
	_ =	strace $0x9FFFFFFF  }
0xc3: {  	(tm) =	ssettm $0x7FFFFFFF  }
tec
execute0_lowered:
.L_overlay_start_1:
0x0: {  	(tag) =	ssettag $0x1  }
0x1: {  	s1 =	srdreg.scid;
	s6 =	rddreg [dreg:$0x0]  }
0x2: {  	s0 =	stileid.u32;
	s2 =	rddreg [dreg:$0x1]  }
0x3: {  	s3 =	rddreg [dreg:$0x2];
	s9 =	smul.u32 $0x14000, s0  }
0x4: {  	s13 =	simm.s32 $0x0;
	s7 =	sand.u32 $0x1, s1;
	s11 =	smul.u32 $0x50000, s0  }
0x5: {  	s5 =	sshll.u32 s0, $0x7;
	s1 =	rddreg [dreg:$0x3];
	s4 =	smul.u32 $0x4E400, s7  }
0x6: {  	s31 =	sshll.u32 s0, $0x6;
	s29 =	smul.u32 $0x140000, s7;
	s7 =	ssub.s32 $0x2, s7  }
0x7: {  	s8 =	sand.u32 $0x400, s5;
	s5 =	sand.u32 $0x380, s5;
	s30 =	sshrl.u32 s7, $0x1  }
0x8: {  	s11 =	sshrl.u32 s11, $0x2;
	s8 =	sadd.s32 s8, s4;
	s4 =	simm.s32 $0x0  }
0x9: {  	s7 =	ssub.s32 s7, s30;
	s12 =	sadd.s32 s11, s3;
	s11 =	sor.u32 $0x1C01, s31  }
0xa: {  	s5 =	sor.u32 s5, s8;
	[smem:$0x7FF] =	sst s4;
	s8 =	sadd.s32 s9, s29  }
0xb: {  	s7 =	smax.u32 s7, $0x1;
	s9 =	simm.s32 $0x14080;
	s12 =	sshrl.u32 s12, $0x3  }
0xc: {  	s5 =	sshrl.u32 s5, $0x3;
	_ =	strace $0x80000047;
	s8 =	sshrl.u32 s8, $0x3  }
0xd: {  	s10 =	sadd.s32 s5, s6;
	s5 =	sadd.s32 $0x2E800, s6;
	s6 =	sadd.s32 s8, s6  }
0xe: {  	s6 =	sadd.s32 $0x31000, s6;
	s8 =	sadd.s32 $0x1AE00, s10;
	s10 =	simm.s32 $0x1  }
.LBB2_1:
0xf: {  	[tilespmem:s9], [sflag:$0x1] =	stream.linear.gather [hbm4b:s2+s4], $0x4000, $0x38;
	[tilespmem:$0x18080] =	vst v63  }
0x10: {  	_ =	swait.ge [sflag:s10], $0x4000  }
0x11: {  	[sflag:s10] =	ssyncset.done $0x0  }
0x12: {  	[sflag:s10] =	ssyncadd.s32 $0xFFFFC000  }
0x13: {  	[spmem:s12], [sflag:s11] =	dma.local [hbm:s5], $0x2800  }
0x14: {  	s14 =	sadd.s32 $0x0, s0;
	_ =	swait.ge [sflag:s10], $0x2800  }
0x15: {  	p1 =	sgt.u32 s14, $0x9C3;
	[sflag:s10] =	ssyncset.done $0x0  }
0x16: {  	p0 =	por p1, p1;
	s14 =	simm.s32 @!p1 $0x0;
	[sflag:s10] =	ssyncadd.s32 $0xFFFFD800  }
0x17: {  	s15 =	simm.s32 @!p1 $0x14000;
	s16 =	simm.s32 @!p0 $0x2;
	[bflag:$0x0] =	sbarrier.arrive $0xFFFF  }
0x18: {  	[tilespmem:s15], [sflag:$0x2] =	stream.linear.gather @!p0 [hbm4b:s8+s14], $0x80, $0x38;
	[tilespmem:$0x18080] =	vst v63  }
0x19: {  	_ =	swait.ge @!p0 [sflag:s16], $0x80  }
0x1a: {  	s31 =	sadd.s32 $0x10, s0;
	[sflag:s16] =	ssyncset.done @!p0 $0x0  }
0x1b: {  	s14 =	simm.s32 @!p0 $0x80;
	[sflag:s16] =	ssyncadd.s32 @!p0 $0xFFFFFF80;
	s16 =	simm.s32 @!p0 $0x14080  }
0x1c: {  	[spmem:s3] =	stream.indirect.scatter.add.f32 @!p0 [tilespmem:s16], [sflag:$0x1], $0x80, s15, s14, $0xb8;
	[tilespmem:$0x18080] =	vst v63  }
0x1d: {  	p1 =	sgt.u32 s31, $0x9C3;
	s16 =	simm.s32 @!p0 $0x1  }
0x1e: {  	s15 =	simm.s32 $0x20;
	s14 =	sadd.s32 $0x100, s8;
	_ =	swait.ge @!p0 [sflag:s16], $0x4000  }
.LBB2_2:
0x1f: {  	s17 =	simm.s32 @!p1 $0x0  }
0x20: {  	s18 =	simm.s32 @!p1 $0x14000;
	[sflag:s16] =	ssyncset.done @!p0 $0x0;
	s19 =	smov.u32 s15  }
0x21: {  	p2 =	por p0, p0;
	p0 =	por p1, p1;
	s15 =	sadd.s32 $0x10, s15  }
0x22: {  	s20 =	simm.s32 @!p0 $0x2;
	[sflag:s16] =	ssyncadd.s32 @!p2 $0xFFFFC000;
	p2 =	sne.s32 s15, $0x9D0  }
0x23: {  	[tilespmem:s18], [sflag:$0x2] =	stream.linear.gather @!p0 [hbm4b:s14+s17], $0x80, $0x38;
	[tilespmem:$0x18080] =	vst v63  }
.Ltmp0:
0x24: {  	_ =	swait.ge @!p0 [sflag:s20], $0x80;
	(pc) =	sbr.rel @p2 .LBB2_2-.Ltmp0, $4  }
0x25: {  	s16 =	simm.s32 @!p0 $0x1;
	s17 =	sadd.s32 s19, s0;
	[sflag:s20] =	ssyncset.done @!p0 $0x0  }
0x26: {  	s19 =	simm.s32 @!p0 $0x80;
	[sflag:s20] =	ssyncadd.s32 @!p0 $0xFFFFFF80;
	s20 =	simm.s32 @!p0 $0x14080  }
0x27: {  	[spmem:s3] =	stream.indirect.scatter.add.f32 @!p0 [tilespmem:s20], [sflag:$0x1], $0x80, s18, s19, $0xb8;
	[tilespmem:$0x18080] =	vst v63  }
0x28: {  	s14 =	sadd.s32 $0x100, s14;
	p1 =	sgt.u32 s17, $0x9C3;
	_ =	swait.ge @!p0 [sflag:s16], $0x4000  }
0x29: {  	s15 =	simm.s32 @!p1 $0x0  }
0x2a: {  	[sflag:s16] =	ssyncset.done @!p0 $0x0;
	p0 =	por p0, p0;
	p2 =	por p1, p1  }
0x2b: {  	s17 =	simm.s32 @!p1 $0x14000;
	s18 =	simm.s32 @!p2 $0x2;
	[sflag:s16] =	ssyncadd.s32 @!p0 $0xFFFFC000  }
0x2c: {  	[tilespmem:s17], [sflag:$0x2] =	stream.linear.gather @!p2 [hbm4b:s14+s15], $0x80, $0x38;
	[tilespmem:$0x18080] =	vst v63  }
0x2d: {  	_ =	swait.ge @!p2 [sflag:s18], $0x80  }
0x2e: {  	s16 =	simm.s32 @!p2 $0x14080;
	[sflag:s18] =	ssyncset.done @!p2 $0x0  }
0x2f: {  	s14 =	simm.s32 @!p2 $0x1;
	s15 =	simm.s32 @!p2 $0x80;
	[sflag:s18] =	ssyncadd.s32 @!p2 $0xFFFFFF80  }
0x30: {  	[spmem:s3] =	stream.indirect.scatter.add.f32 @!p2 [tilespmem:s16], [sflag:$0x1], $0x80, s17, s15, $0xb8;
	[tilespmem:$0x18080] =	vst v63  }
0x31: {  	_ =	swait.ge @!p2 [sflag:s14], $0x4000  }
0x32: {  	s13 =	sadd.s32 $0x1, s13;
	p0 =	por p2, p2;
	[sflag:s14] =	ssyncset.done @!p2 $0x0  }
0x33: {  	[sflag:s14] =	ssyncadd.s32 @!p0 $0xFFFFC000;
	p0 =	sne.s32 s13, s7  }
.Ltmp1:
0x34: {  	[bflag:$0x0] =	sbarrier.arrive $0xFFFF;
	(pc) =	sbr.rel @p0 .LBB2_1-.Ltmp1, $4  }
0x35: {  	[hbm:s6], [sflag:s11] =	dma.local [spmem:s12], $0x2800  }
0x36: {  	_ =	swait.ge [sflag:s10], $0x2800  }
0x37: {  	[sflag:s10] =	ssyncset.done $0x0  }
0x38: {  	[sflag:s10] =	ssyncadd.s32 $0xFFFFD800  }
0x39: {  	_ =	sfence.sel $0x180000  }
0x3a: {  	[bflag:$0x0] =	sbarrier.arrive $0xFFFF  }
0x3b: {  	p0 =	sne.s32 s0, $0x0;
	_ =	strace $0x90000047  }
0x3c: {  	s0 =	sadd.s32 @!p0 $0x100000, s1;
	[bflag:$0x2] =	sbarrier.arrive $0xFFFF  }
0x3d: {  	[sflag:s0] =	ssyncadd.tile.s32 @!p0 $0x1;
	_ =	shalt  }
.Lfunc_end2:
_tile_overlayer_lowered:
.L_overlay_start_2:
0x3e: {  	(tag) =	ssettag $0x2  }
0x3f: {  	s0 =	rddreg [dreg:$0x0];
	s2 =	stileid.u32  }
0x40: {  	s1 =	rddreg [dreg:$0x1];
	p0 =	sne.s32 s2, $0x0  }
0x41: {  	s3 =	rddreg [dreg:$0x2];
	[bflag:$0x3] =	sbarrier.arrive $0xFFFF;
	s2 =	simm.s32 @!p0 $0x1C01  }
0x42: {  	[timem:s3], [sflag:s2] =	dma.local @!p0 [hbm:s0], s1  }
0x43: {  	s0 =	simm.s32 @!p0 $0x1  }
0x44: {  	_ =	swait.ge @!p0 [sflag:s0], s1  }
0x45: {  	s1 =	ssub.s32 @!p0 $0x0, s1;
	[sflag:s0] =	ssyncset.done @!p0 $0x0  }
0x46: {  	[sflag:s0] =	ssyncadd.s32 @!p0 s1  }
0x47: {  	[bflag:$0x3] =	sbarrier.arrive $0xFFFF  }
0x48: {  	_ =	shalt  }

// kernel: sc_edge_pass.4.cloned.1.call-start
scs
__scs_entry_jumppad:
0x0: {  	(pc) =	sbr.rel $0x88, $3  }
0x1: {  	(tag) =	ssettag $0x0;
	lr =	simm.s32 $0x1  }
0x2: {  	[smem:$0x3F8A] =	sst lr;
	_ =	strace $0xD0000000  }
0x3: {  	_ = 	snop  }
0x4: {  	_ = 	snop  }
0x5: {  	_ = 	snop  }
0x6: {  	_ = 	snop  }
0x7: {  	_ = 	snop  }
__scs_overlays_trampoline_lowered:
0x8: {  	[smem:$0x3F99] =	sst s0  }
0x9: {  	[smem:$0x3F9A] =	sst s1  }
0xa: {  	[smem:$0x3F9B] =	sst s2  }
0xb: {  	[smem:$0x3F9C] =	sst s3  }
0xc: {  	[smem:$0x3F9D] =	sst s4  }
0xd: {  	[smem:$0x3F9E] =	sst s5  }
0xe: {  	[smem:$0x3F9F] =	sst s6  }
0xf: {  	[smem:$0x3FA0] =	sst s7  }
0x10: {  	[smem:$0x3FA1] =	sst s8  }
0x11: {  	[smem:$0x3FA2] =	sst s9;
	s0 =	simm.s32 @!p0 $0x0  }
0x12: {  	s1 =	sld [smem:$0x3F88];
	s0 =	simm.s32 @p0 $0x1  }
0x13: {  	[smem:$0x3FA3] =	sst s0;
	s0 =	simm.s32 @!p1 $0x0  }
0x14: {  	s2 =	sld [smem:$0x3F87];
	s0 =	simm.s32 @p1 $0x1  }
0x15: {  	[smem:$0x3FA4] =	sst s0;
	s0 =	simm.s32 @!p2 $0x0  }
0x16: {  	s3 =	sld [smem:$0x3FDB];
	s0 =	simm.s32 @p2 $0x1  }
0x17: {  	s4 =	simm.s32 $0x1BF5;
	[smem:$0x3FA6] =	sst s0  }
0x18: {  	s0 =	sld [smem:$0x3F89];
	_ =	swait.ge [sflag:s4], $0x0  }
0x19: {  	s7 =	sld [smem:$0x3F8A]  }
0x1a: {  	s8 =	sadd.s32 $0xFFFFE003, lr  }
0x1b: {  	s9 =	sadd.s32 $0xFFFFFEF7, lr;
	s5 =	simm.s32 $0xFFFFFFFF;
	p2 =	slt.u32 s8, $0xFFFFF086  }
0x1c: {  	p1 =	slt.u32 s9, $0xF7A;
	s5 =	simm.s32 @!p2 $0x0  }
0x1d: {  	s5 =	simm.s32 @p1 $0x1;
	p0 =	seq.s32 s7, s2  }
0x1e: {  	s7 =	smul.u32 @!p0 $0xF7A, s2;
	p2 =	seq.s32 @!p0 s5, $0x0  }
0x1f: {  	s9 =	smul.u32 $0xF7A, s1;
	s8 =	simm.s32 @!p0 $0x1BF5;
	p2 =	por !p2, p0  }
0x20: {  	[sflag:s8] =	ssyncset.s32 @!p0 $0xFFFFF086;
	s6 =	sadd.s32 @!p0 s3, s7;
	s7 =	simm.s32 @!p0 $0x108  }
0x21: {  	s3 =	sadd.s32 s3, s9;
	s6 =	sadd.s32 @!p0 $0x88, s6;
	s7 =	simm.s32 @p2 $0x1082  }
0x22: {  	[simem:s7], [sflag:s8] =	dma.local @!p0 [hbm:s6], $0xF7A  }
0x23: {  	s9 =	sor.u32 $0xD0000000, s2;
	s6 =	simm.s32 $0x108;
	_ =	swait.ge @!p0 [sflag:s8], $0x0  }
0x24: {  	s3 =	sadd.s32 $0x88, s3;
	s6 =	simm.s32 @!p1 $0x1082;
	[sflag:s4] =	ssyncset.s32 $0xFFFFF086  }
0x25: {  	[simem:s6], [sflag:s4] =	dma.local [hbm:s3], $0xF7A  }
0x26: {  	[smem:$0x3F8A] =	sst s1;
	(tag) =	ssettag s2;
	_ =	strace s9  }
0x27: {  	s1 =	sld [smem:$0x3F9A]  }
0x28: {  	s2 =	sld [smem:$0x3F9B]  }
0x29: {  	s4 =	sld [smem:$0x3F9D]  }
0x2a: {  	p0 =	seq.s32 s5, $0x0;
	s5 =	sld [smem:$0x3F9E]  }
0x2b: {  	s6 =	sld [smem:$0x3F9F]  }
0x2c: {  	s7 =	sld [smem:$0x3FA0]  }
0x2d: {  	s3 =	simm.s32 $0x108;
	s8 =	sld [smem:$0x3FA1]  }
0x2e: {  	s3 =	simm.s32 @!p0 $0x1082;
	s9 =	sld [smem:$0x3FA2]  }
0x2f: {  	lr =	sadd.s32 s0, s3;
	s0 =	sld [smem:$0x3F99]  }
0x30: {  	s3 =	sld [smem:$0x3F9C]  }
0x31: {  	[smem:$0x3FA5] =	sst s10  }
0x32: {  	s10 =	sld [smem:$0x3FA3];
	_ =	sdelay $0x3  }
0x33: {  	p0 =	seq.s32 s10, $0x1;
	s10 =	sld [smem:$0x3FA5];
	_ =	sdelay $0x3  }
0x34: {  	[smem:$0x3FA5] =	sst s10  }
0x35: {  	s10 =	sld [smem:$0x3FA4];
	_ =	sdelay $0x3  }
0x36: {  	p1 =	seq.s32 s10, $0x1;
	s10 =	sld [smem:$0x3FA5];
	_ =	sdelay $0x3  }
0x37: {  	[smem:$0x3FA5] =	sst s10  }
0x38: {  	s10 =	sld [smem:$0x3FA6]  }
0x39: {  	_ = 	snop;
	(pc) =	sbr.ind lr, $3  }
0x3a: {  	_ = 	snop  }
0x3b: {  	_ = 	snop  }
0x3c: {  	p2 =	seq.s32 s10, $0x1;
	s10 =	sld [smem:$0x3FA5]  }
0x3d: {  	_ =	shalt  }
0x3e: {  	_ =	shalt  }
0x3f: {  	_ =	shalt  }
0x40: {  	_ =	shalt  }
0x41: {  	_ =	shalt  }
0x42: {  	_ =	shalt  }
0x43: {  	_ =	shalt  }
0x44: {  	_ =	shalt  }
0x45: {  	_ =	shalt  }
0x46: {  	_ =	shalt  }
0x47: {  	_ =	shalt  }
0x48: {  	_ =	shalt  }
0x49: {  	_ =	shalt  }
0x4a: {  	_ =	shalt  }
0x4b: {  	_ =	shalt  }
0x4c: {  	_ =	shalt  }
0x4d: {  	_ =	shalt  }
0x4e: {  	_ =	shalt  }
0x4f: {  	_ =	shalt  }
0x50: {  	_ =	shalt  }
0x51: {  	_ =	shalt  }
0x52: {  	_ =	shalt  }
0x53: {  	_ =	shalt  }
0x54: {  	_ =	shalt  }
0x55: {  	_ =	shalt  }
0x56: {  	_ =	shalt  }
0x57: {  	_ =	shalt  }
0x58: {  	_ =	shalt  }
0x59: {  	_ =	shalt  }
0x5a: {  	_ =	shalt  }
0x5b: {  	_ =	shalt  }
0x5c: {  	_ =	shalt  }
0x5d: {  	_ =	shalt  }
0x5e: {  	_ =	shalt  }
0x5f: {  	_ =	shalt  }
0x60: {  	_ =	shalt  }
0x61: {  	_ =	shalt  }
0x62: {  	_ =	shalt  }
0x63: {  	_ =	shalt  }
0x64: {  	_ =	shalt  }
0x65: {  	_ =	shalt  }
0x66: {  	_ =	shalt  }
0x67: {  	_ =	shalt  }
0x68: {  	_ =	shalt  }
0x69: {  	_ =	shalt  }
0x6a: {  	_ =	shalt  }
0x6b: {  	_ =	shalt  }
0x6c: {  	_ =	shalt  }
0x6d: {  	_ =	shalt  }
0x6e: {  	_ =	shalt  }
0x6f: {  	_ =	shalt  }
0x70: {  	_ =	shalt  }
0x71: {  	_ =	shalt  }
0x72: {  	_ =	shalt  }
0x73: {  	_ =	shalt  }
0x74: {  	_ =	shalt  }
0x75: {  	_ =	shalt  }
0x76: {  	_ =	shalt  }
0x77: {  	_ =	shalt  }
0x78: {  	_ =	shalt  }
0x79: {  	_ =	shalt  }
0x7a: {  	_ =	shalt  }
0x7b: {  	_ =	shalt  }
0x7c: {  	_ =	shalt  }
0x7d: {  	_ =	shalt  }
0x7e: {  	_ =	shalt  }
0x7f: {  	_ =	shalt  }
0x80: {  	_ =	shalt  }
0x81: {  	_ =	shalt  }
0x82: {  	_ =	shalt  }
0x83: {  	_ =	shalt  }
0x84: {  	_ =	shalt  }
0x85: {  	_ =	shalt  }
0x86: {  	_ =	shalt  }
0x87: {  	_ =	shalt  }
.Lfunc_end0:
.L_simem_size_0:
called_computation.1_lowered:
.L_overlay_start_0:
0x88: {  	s2 =	sld [smem:$0x3FD9]  }
0x89: {  	s3 =	sld [smem:$0x3FFE];
	_ =	sdelay $0x1  }
0x8a: {  	s1 =	srdreg.scid  }
0x8b: {  	s0 =	sand.u32 $0x1, s1  }
0x8c: {  	s16 =	sshll.u32 s0, $0xA;
	s2 =	sadd.s32 s3, s2  }
0x8d: {  	s2 =	sadd.s32 s2, s16  }
0x8e: {  	[smem:$0x3FB1] =	sst s2  }
0x8f: {  	_ = 	snop  }
0x90: {  	(tm) =	ssettm $0x1  }
0x91: {  	s17 =	sld [smem:$0x3FFB];
	_ =	sdelay $0x3  }
0x92: {  	_ =	strace s17  }
0x93: {  	s2 =	sld [smem:$0x3FFC];
	_ =	sdelay $0x3  }
0x94: {  	_ =	strace s2  }
0x95: {  	s2 =	sld [smem:$0x3FFD];
	_ =	sdelay $0x3  }
0x96: {  	_ =	strace s2  }
0x97: {  	_ =	strace $0x8FFFFFFF  }
0x98: {  	s18 =	sld [smem:$0x3FDB];
	_ =	sdelay $0x1  }
0x99: {  	s19 =	simm.s32 $_scs_section_size  }
0x9a: {  	s4 =	simm.s32 $_size__tile_overlayer_lowered;
	s5 =	simm.s32 $_tile_overlayer_lowered  }
0x9b: {  	s22 =	simm.s32 $0x1BFF;
	s21 =	sshll.u32 s5, $0x1;
	s2 =	sadd.s32 s19, s18  }
0x9c: {  	s6 =	simm.s32 $0x0;
	s20 =	sshll.u32 s4, $0x1;
	s4 =	sadd.s32 s21, s2  }
0x9d: {  	[timem:s6], [sflag:s22] =	dma.local [hbm:s4], s20  }
0x9e: {  	_ =	swait.ge [sflag:s22], s20  }
0x9f: {  	s3 =	ssub.s32 $0x0, s20;
	[sflag:s22] =	ssyncset.done $0x0  }
0xa0: {  	[sflag:s22] =	ssyncadd.s32 s3;
	_ =	sdelay $0x1  }
0xa1: {  	s23 =	simm.s32 $0x1B8B  }
0xa2: {  	_ =	swait.ge [sflag:s23], $0x1  }
0xa3: {  	[sflag:s23] =	ssyncset.done $0x0  }
0xa4: {  	s25 =	simm.s32 $0x1B8E;
	s24 =	sld [smem:$0x3FFE];
	[sflag:s23] =	ssyncadd.s32 $0xFFFFFFFF  }
0xa5: {  	s26 =	simm.s32 $execute0_lowered;
	[smem:$0x3FD2] =	sst s25  }
0xa6: {  	s4 =	sshll.u32 s26, $0x1;
	_ =	strace $0x80000049;
	[dreg:$0x1] =	wrdreg $0xFFFFFFFF  }
0xa7: {  	s28 =	simm.s32 $_size_execute0_lowered;
	s2 =	sadd.s32 s2, s4;
	[dreg:$0x0] =	wrdreg $0x0  }
0xa8: {  	s4 =	sshll.u32 s28, $0x1;
	[dreg:$0x2] =	wrdreg s2  }
0xa9: {  	[dreg:$0x3] =	wrdreg s4  }
0xaa: {  	[dreg:$0x4] =	wrdreg $0xC0  }
0xab: {  	_ =	task [dreg:s6], $0x5FFFF  }
0xac: {  	[dreg:$0x1] =	wrdreg $0xFFFFFFFF  }
0xad: {  	[dreg:$0x0] =	wrdreg $0x60  }
0xae: {  	[dreg:$0x2] =	wrdreg s24  }
0xaf: {  	[dreg:$0x3] =	wrdreg $0x0  }
0xb0: {  	[dreg:$0x4] =	wrdreg $0x9  }
0xb1: {  	_ =	task.clear_ibuf [dreg:s6], $0x5FFFF;
	_ =	strace $0x90000049  }
0xb2: {  	s29 =	simm.s32 $0x9;
	_ =	strace $0x8000004B  }
0xb3: {  	_ =	swait.ge [sflag:s29], $0x1  }
0xb4: {  	[sflag:s29] =	ssyncadd.s32 $0xFFFFFFFF  }
0xb5: {  	_ =	strace $0x9000004B  }
0xb6: {  	_ =	sfence  }
0xb7: {  	s30 =	sld [smem:$0x0];
	_ =	sdelay $0x2  }
0xb8: {  	s31 =	sshll.u32 s1, $0xD;
	s1 =	sshrl.u32 s1, $0x2  }
0xb9: {  	s3 =	sand.u32 $0x4000, s31;
	s1 =	sadd.s32 s1, s30  }
0xba: {  	s0 =	sor.u32 s3, s0;
	s1 =	sshll.u32 s1, $0x11  }
0xbb: {  	s0 =	sor.u32 s1, s0  }
0xbc: {  	s0 =	sadd.s32 $0x8F2B, s0  }
0xbd: {  	[sflag:s0] =	ssyncadd.remote.s32 $0x1  }
0xbe: {  	_ =	sfence.sel $0xFFFF  }
0xbf: {  	[dreg:$0x0] =	wrdreg $0xFFFFFFFF;
	(pc) =	sbr.abs _section_cstart, $3  }
0xc0: {  	[dreg:$0x1] =	wrdreg $0xFFFFFFFF  }
0xc1: {  	_ =	task.clear_ibuf [dreg:s6], $0x2FFFF;
	_ =	strace $0x9FFFFFFF  }
0xc2: {  	(tm) =	ssettm $0x7FFFFFFF  }
0xc3: {  	_ =	shalt  }
tec
execute0_lowered:
.L_overlay_start_1:
0x0: {  	(tag) =	ssettag $0x1  }
0x1: {  	s6 =	rddreg [dreg:$0x0]  }
0x2: {  	s2 =	rddreg [dreg:$0x1];
	s3 =	srdreg.scid  }
0x3: {  	s0 =	rddreg [dreg:$0x2];
	s1 =	stileid.u32  }
0x4: {  	s7 =	sand.u32 $0x1, s3;
	s3 =	simm.s32 $0x0;
	s29 =	smul.u32 $0x14000, s1  }
0x5: {  	s5 =	sshll.u32 s1, $0x7;
	s30 =	smul.u32 $0x50000, s1;
	s11 =	sshll.u32 s1, $0x6  }
0x6: {  	s4 =	smul.u32 $0x4E400, s7;
	[smem:$0x7FF] =	sst s3;
	s8 =	sand.u32 $0x400, s5  }
0x7: {  	s9 =	smul.u32 $0x140000, s7;
	s5 =	sand.u32 $0x380, s5;
	s31 =	ssub.s32 $0x2, s7  }
0x8: {  	_ =	strace $0x8000004A;
	s7 =	sshrl.u32 s31, $0x1;
	s4 =	sadd.s32 s8, s4  }
0x9: {  	s8 =	sadd.s32 s29, s9;
	s9 =	sshrl.u32 s30, $0x2;
	s12 =	ssub.s32 s31, s7  }
0xa: {  	s5 =	sor.u32 s5, s4;
	s4 =	sadd.s32 $0x11F400, s6;
	s8 =	sshrl.u32 s8, $0x3  }
0xb: {  	s13 =	sadd.s32 s9, s2;
	s5 =	sshrl.u32 s5, $0x3;
	s8 =	sadd.s32 s8, s6  }
0xc: {  	s10 =	sadd.s32 s5, s6;
	s5 =	sadd.s32 $0x2E800, s6;
	s6 =	sor.u32 $0x1C02, s11  }
0xd: {  	s7 =	sadd.s32 $0x31000, s8;
	s8 =	smax.u32 s12, $0x1;
	s11 =	sshrl.u32 s13, $0x3  }
0xe: {  	s12 =	simm.s32 $0x2;
	s9 =	sadd.s32 $0x7400, s10;
	s10 =	sadd.s32 $0x1AE00, s10  }
.LBB2_1:
0xf: {  	[spmem:s11], [sflag:s6] =	dma.local [hbm:s5], $0x2800  }
0x10: {  	_ =	swait.ge [sflag:s12], $0x2800  }
0x11: {  	p0 =	sgt.u32 s1, $0x9C3;
	[sflag:s12] =	ssyncset.done $0x0  }
0x12: {  	s13 =	sadd.s32 @!p0 $0x0, s10;
	s14 =	simm.s32 @!p0 $0x0;
	[sflag:s12] =	ssyncadd.s32 $0xFFFFD800  }
0x13: {  	s15 =	simm.s32 @!p0 $0x14000;
	s16 =	simm.s32 @!p0 $0x3;
	[bflag:$0x0] =	sbarrier.arrive $0xFFFF  }
0x14: {  	[tilespmem:s15], [sflag:$0x3] =	stream.linear.gather @!p0 [hbm4b:s13+s14], $0x80, $0x38;
	[tilespmem:$0x18100] =	vst v63  }
0x15: {  	_ =	swait.ge @!p0 [sflag:s16], $0x80  }
0x16: {  	[sflag:s16] =	ssyncset.done @!p0 $0x0  }
0x17: {  	s17 =	simm.s32 @!p0 $0x14080;
	s13 =	sadd.s32 @!p0 $0x0, s9;
	[sflag:s16] =	ssyncadd.s32 @!p0 $0xFFFFFF80  }
0x18: {  	[tilespmem:s17], [sflag:$0x3] =	stream.linear.gather @!p0 [hbm4b:s13+s14], $0x80, $0x38;
	[tilespmem:$0x18100] =	vst v63  }
0x19: {  	_ =	swait.ge @!p0 [sflag:s16], $0x80;
	p0 =	por p0, p0  }
0x1a: {  	[sflag:s16] =	ssyncset.done @!p0 $0x0;
	s13 =	simm.s32 @!p0 $0x80  }
0x1b: {  	s14 =	simm.s32 @!p0 $0x14100;
	[sflag:s16] =	ssyncadd.s32 @!p0 $0xFFFFFF80;
	s16 =	simm.s32 @!p0 $0x1  }
0x1c: {  	[tilespmem:s14], [sflag:$0x1] =	stream.indirect.gather @!p0 [hbm4b:s4+s13], $0x80, s17, s13, $0xb8;
	[tilespmem:$0x18100] =	vst v63  }
0x1d: {  	_ =	swait.ge @!p0 [sflag:s16], $0x4000  }
0x1e: {  	[sflag:s16] =	ssyncset.done @!p0 $0x0  }
0x1f: {  	[sflag:s16] =	ssyncadd.s32 @!p0 $0xFFFFC000  }
0x20: {  	[spmem:s2] =	stream.indirect.scatter.add.f32 @!p0 [tilespmem:s14], [sflag:$0x2], $0x80, s15, s13, $0xb8;
	[tilespmem:$0x18100] =	vst v63  }
0x21: {  	s16 =	simm.s32 @!p0 $0x2;
	s13 =	simm.s32 $0x100;
	s14 =	sadd.s32 $0x10, s1  }
0x22: {  	s15 =	simm.s32 $0x200;
	p1 =	sgt.u32 s14, $0x9C3;
	_ =	swait.ge @!p0 [sflag:s16], $0x4000  }
.LBB2_2:
0x23: {  	s17 =	sadd.s32 @!p1 s13, s10;
	s18 =	simm.s32 @!p1 $0x0;
	[sflag:s16] =	ssyncset.done @!p0 $0x0  }
0x24: {  	s19 =	simm.s32 @!p1 $0x14000;
	s20 =	simm.s32 @!p1 $0x3;
	[sflag:s16] =	ssyncadd.s32 @!p0 $0xFFFFC000  }
0x25: {  	[tilespmem:s19], [sflag:$0x3] =	stream.linear.gather @!p1 [hbm4b:s17+s18], $0x80, $0x38;
	[tilespmem:$0x18100] =	vst v63  }
0x26: {  	s16 =	smov.u32 s15;
	s15 =	sadd.s32 $0x100, s15;
	_ =	swait.ge @!p1 [sflag:s20], $0x80  }
0x27: {  	s21 =	simm.s32 @!p1 $0x14080;
	s17 =	sadd.s32 @!p1 s13, s9;
	[sflag:s20] =	ssyncset.done @!p1 $0x0  }
0x28: {  	p2 =	sne.s32 s15, $0x9D00;
	s13 =	smov.u32 s16;
	[sflag:s20] =	ssyncadd.s32 @!p1 $0xFFFFFF80  }
0x29: {  	[tilespmem:s21], [sflag:$0x3] =	stream.linear.gather @!p1 [hbm4b:s17+s18], $0x80, $0x38;
	[tilespmem:$0x18100] =	vst v63  }
0x2a: {  	p0 =	por p1, p1;
	_ =	swait.ge @!p1 [sflag:s20], $0x80  }
0x2b: {  	s17 =	simm.s32 @!p0 $0x80;
	s18 =	simm.s32 @!p0 $0x14100;
	[sflag:s20] =	ssyncset.done @!p0 $0x0  }
0x2c: {  	s16 =	simm.s32 @!p0 $0x1;
	[sflag:s20] =	ssyncadd.s32 @!p0 $0xFFFFFF80  }
0x2d: {  	[tilespmem:s18], [sflag:$0x1] =	stream.indirect.gather @!p0 [hbm4b:s4+s17], $0x80, s21, s17, $0xb8;
	[tilespmem:$0x18100] =	vst v63  }
.Ltmp0:
0x2e: {  	_ =	swait.ge @!p0 [sflag:s16], $0x4000;
	(pc) =	sbr.rel @p2 .LBB2_2-.Ltmp0, $4  }
0x2f: {  	[sflag:s16] =	ssyncset.done @!p0 $0x0  }
0x30: {  	s14 =	sadd.s32 $0x10, s14;
	[sflag:s16] =	ssyncadd.s32 @!p0 $0xFFFFC000;
	s16 =	simm.s32 @!p0 $0x2  }
0x31: {  	[spmem:s2] =	stream.indirect.scatter.add.f32 @!p0 [tilespmem:s18], [sflag:$0x2], $0x80, s19, s17, $0xb8;
	[tilespmem:$0x18100] =	vst v63  }
0x32: {  	p1 =	sgt.u32 s14, $0x9C3;
	_ =	swait.ge @!p0 [sflag:s16], $0x4000  }
0x33: {  	s14 =	sadd.s32 @!p1 s13, s10;
	s15 =	simm.s32 @!p1 $0x0;
	[sflag:s16] =	ssyncset.done @!p0 $0x0  }
0x34: {  	s17 =	simm.s32 @!p1 $0x14000;
	s18 =	simm.s32 @!p1 $0x3;
	[sflag:s16] =	ssyncadd.s32 @!p0 $0xFFFFC000  }
0x35: {  	[tilespmem:s17], [sflag:$0x3] =	stream.linear.gather @!p1 [hbm4b:s14+s15], $0x80, $0x38;
	[tilespmem:$0x18100] =	vst v63  }
0x36: {  	_ =	swait.ge @!p1 [sflag:s18], $0x80  }
0x37: {  	[sflag:s18] =	ssyncset.done @!p1 $0x0  }
0x38: {  	s13 =	sadd.s32 @!p1 s13, s9;
	s14 =	simm.s32 @!p1 $0x14080;
	[sflag:s18] =	ssyncadd.s32 @!p1 $0xFFFFFF80  }
0x39: {  	[tilespmem:s14], [sflag:$0x3] =	stream.linear.gather @!p1 [hbm4b:s13+s15], $0x80, $0x38;
	[tilespmem:$0x18100] =	vst v63  }
0x3a: {  	p0 =	por p1, p1;
	_ =	swait.ge @!p1 [sflag:s18], $0x80  }
0x3b: {  	s16 =	simm.s32 @!p0 $0x1;
	[sflag:s18] =	ssyncset.done @!p0 $0x0  }
0x3c: {  	s13 =	simm.s32 @!p0 $0x80;
	s15 =	simm.s32 @!p0 $0x14100;
	[sflag:s18] =	ssyncadd.s32 @!p0 $0xFFFFFF80  }
0x3d: {  	[tilespmem:s15], [sflag:$0x1] =	stream.indirect.gather @!p0 [hbm4b:s4+s13], $0x80, s14, s13, $0xb8;
	[tilespmem:$0x18100] =	vst v63  }
0x3e: {  	_ =	swait.ge @!p0 [sflag:s16], $0x4000  }
0x3f: {  	[sflag:s16] =	ssyncset.done @!p0 $0x0  }
0x40: {  	s14 =	simm.s32 @!p0 $0x2;
	[sflag:s16] =	ssyncadd.s32 @!p0 $0xFFFFC000  }
0x41: {  	[spmem:s2] =	stream.indirect.scatter.add.f32 @!p0 [tilespmem:s15], [sflag:$0x2], $0x80, s17, s13, $0xb8;
	[tilespmem:$0x18100] =	vst v63  }
0x42: {  	_ =	swait.ge @!p0 [sflag:s14], $0x4000  }
0x43: {  	s3 =	sadd.s32 $0x1, s3;
	[sflag:s14] =	ssyncset.done @!p0 $0x0  }
0x44: {  	[sflag:s14] =	ssyncadd.s32 @!p0 $0xFFFFC000;
	p0 =	sne.s32 s3, s8  }
.Ltmp1:
0x45: {  	[bflag:$0x0] =	sbarrier.arrive $0xFFFF;
	(pc) =	sbr.rel @p0 .LBB2_1-.Ltmp1, $4  }
0x46: {  	[hbm:s7], [sflag:s6] =	dma.local [spmem:s11], $0x2800  }
0x47: {  	_ =	swait.ge [sflag:s12], $0x2800  }
0x48: {  	[sflag:s12] =	ssyncset.done $0x0  }
0x49: {  	[sflag:s12] =	ssyncadd.s32 $0xFFFFD800  }
0x4a: {  	_ =	sfence.sel $0x180000  }
0x4b: {  	[bflag:$0x0] =	sbarrier.arrive $0xFFFF  }
0x4c: {  	p0 =	sne.s32 s1, $0x0;
	_ =	strace $0x9000004A  }
0x4d: {  	s0 =	sadd.s32 @!p0 $0x100000, s0;
	[bflag:$0x2] =	sbarrier.arrive $0xFFFF  }
0x4e: {  	[sflag:s0] =	ssyncadd.tile.s32 @!p0 $0x1;
	_ =	shalt  }
.Lfunc_end2:
_tile_overlayer_lowered:
.L_overlay_start_2:
0x4f: {  	(tag) =	ssettag $0x2  }
0x50: {  	s0 =	rddreg [dreg:$0x0];
	s2 =	stileid.u32  }
0x51: {  	s1 =	rddreg [dreg:$0x1];
	p0 =	sne.s32 s2, $0x0  }
0x52: {  	s3 =	rddreg [dreg:$0x2];
	[bflag:$0x3] =	sbarrier.arrive $0xFFFF;
	s2 =	simm.s32 @!p0 $0x1C02  }
0x53: {  	[timem:s3], [sflag:s2] =	dma.local @!p0 [hbm:s0], s1  }
0x54: {  	s0 =	simm.s32 @!p0 $0x2  }
0x55: {  	_ =	swait.ge @!p0 [sflag:s0], s1  }
0x56: {  	s1 =	ssub.s32 @!p0 $0x0, s1;
	[sflag:s0] =	ssyncset.done @!p0 $0x0  }
0x57: {  	[sflag:s0] =	ssyncadd.s32 @!p0 s1  }
0x58: {  	[bflag:$0x3] =	sbarrier.arrive $0xFFFF  }
0x59: {  	_ =	shalt  }

// kernel: sc_edge_pass.7.cloned.1.call-start
scs
__scs_entry_jumppad:
0x0: {  	(pc) =	sbr.rel $0x88, $3  }
0x1: {  	(tag) =	ssettag $0x0;
	lr =	simm.s32 $0x1  }
0x2: {  	[smem:$0x3F8A] =	sst lr;
	_ =	strace $0xD0000000  }
0x3: {  	_ = 	snop  }
0x4: {  	_ = 	snop  }
0x5: {  	_ = 	snop  }
0x6: {  	_ = 	snop  }
0x7: {  	_ = 	snop  }
__scs_overlays_trampoline_lowered:
0x8: {  	[smem:$0x3F99] =	sst s0  }
0x9: {  	[smem:$0x3F9A] =	sst s1  }
0xa: {  	[smem:$0x3F9B] =	sst s2  }
0xb: {  	[smem:$0x3F9C] =	sst s3  }
0xc: {  	[smem:$0x3F9D] =	sst s4  }
0xd: {  	[smem:$0x3F9E] =	sst s5  }
0xe: {  	[smem:$0x3F9F] =	sst s6  }
0xf: {  	[smem:$0x3FA0] =	sst s7  }
0x10: {  	[smem:$0x3FA1] =	sst s8  }
0x11: {  	[smem:$0x3FA2] =	sst s9;
	s0 =	simm.s32 @!p0 $0x0  }
0x12: {  	s1 =	sld [smem:$0x3F88];
	s0 =	simm.s32 @p0 $0x1  }
0x13: {  	[smem:$0x3FA3] =	sst s0;
	s0 =	simm.s32 @!p1 $0x0  }
0x14: {  	s2 =	sld [smem:$0x3F87];
	s0 =	simm.s32 @p1 $0x1  }
0x15: {  	[smem:$0x3FA4] =	sst s0;
	s0 =	simm.s32 @!p2 $0x0  }
0x16: {  	s3 =	sld [smem:$0x3FDB];
	s0 =	simm.s32 @p2 $0x1  }
0x17: {  	s4 =	simm.s32 $0x1BF5;
	[smem:$0x3FA6] =	sst s0  }
0x18: {  	s0 =	sld [smem:$0x3F89];
	_ =	swait.ge [sflag:s4], $0x0  }
0x19: {  	s7 =	sld [smem:$0x3F8A]  }
0x1a: {  	s8 =	sadd.s32 $0xFFFFE003, lr  }
0x1b: {  	s9 =	sadd.s32 $0xFFFFFEF7, lr;
	s5 =	simm.s32 $0xFFFFFFFF;
	p2 =	slt.u32 s8, $0xFFFFF086  }
0x1c: {  	p1 =	slt.u32 s9, $0xF7A;
	s5 =	simm.s32 @!p2 $0x0  }
0x1d: {  	s5 =	simm.s32 @p1 $0x1;
	p0 =	seq.s32 s7, s2  }
0x1e: {  	s7 =	smul.u32 @!p0 $0xF7A, s2;
	p2 =	seq.s32 @!p0 s5, $0x0  }
0x1f: {  	s9 =	smul.u32 $0xF7A, s1;
	s8 =	simm.s32 @!p0 $0x1BF5;
	p2 =	por !p2, p0  }
0x20: {  	[sflag:s8] =	ssyncset.s32 @!p0 $0xFFFFF086;
	s6 =	sadd.s32 @!p0 s3, s7;
	s7 =	simm.s32 @!p0 $0x108  }
0x21: {  	s3 =	sadd.s32 s3, s9;
	s6 =	sadd.s32 @!p0 $0x88, s6;
	s7 =	simm.s32 @p2 $0x1082  }
0x22: {  	[simem:s7], [sflag:s8] =	dma.local @!p0 [hbm:s6], $0xF7A  }
0x23: {  	s9 =	sor.u32 $0xD0000000, s2;
	s6 =	simm.s32 $0x108;
	_ =	swait.ge @!p0 [sflag:s8], $0x0  }
0x24: {  	s3 =	sadd.s32 $0x88, s3;
	s6 =	simm.s32 @!p1 $0x1082;
	[sflag:s4] =	ssyncset.s32 $0xFFFFF086  }
0x25: {  	[simem:s6], [sflag:s4] =	dma.local [hbm:s3], $0xF7A  }
0x26: {  	[smem:$0x3F8A] =	sst s1;
	(tag) =	ssettag s2;
	_ =	strace s9  }
0x27: {  	s1 =	sld [smem:$0x3F9A]  }
0x28: {  	s2 =	sld [smem:$0x3F9B]  }
0x29: {  	s4 =	sld [smem:$0x3F9D]  }
0x2a: {  	p0 =	seq.s32 s5, $0x0;
	s5 =	sld [smem:$0x3F9E]  }
0x2b: {  	s6 =	sld [smem:$0x3F9F]  }
0x2c: {  	s7 =	sld [smem:$0x3FA0]  }
0x2d: {  	s3 =	simm.s32 $0x108;
	s8 =	sld [smem:$0x3FA1]  }
0x2e: {  	s3 =	simm.s32 @!p0 $0x1082;
	s9 =	sld [smem:$0x3FA2]  }
0x2f: {  	lr =	sadd.s32 s0, s3;
	s0 =	sld [smem:$0x3F99]  }
0x30: {  	s3 =	sld [smem:$0x3F9C]  }
0x31: {  	[smem:$0x3FA5] =	sst s10  }
0x32: {  	s10 =	sld [smem:$0x3FA3];
	_ =	sdelay $0x3  }
0x33: {  	p0 =	seq.s32 s10, $0x1;
	s10 =	sld [smem:$0x3FA5];
	_ =	sdelay $0x3  }
0x34: {  	[smem:$0x3FA5] =	sst s10  }
0x35: {  	s10 =	sld [smem:$0x3FA4];
	_ =	sdelay $0x3  }
0x36: {  	p1 =	seq.s32 s10, $0x1;
	s10 =	sld [smem:$0x3FA5];
	_ =	sdelay $0x3  }
0x37: {  	[smem:$0x3FA5] =	sst s10  }
0x38: {  	s10 =	sld [smem:$0x3FA6]  }
0x39: {  	_ = 	snop;
	(pc) =	sbr.ind lr, $3  }
0x3a: {  	_ = 	snop  }
0x3b: {  	_ = 	snop  }
0x3c: {  	p2 =	seq.s32 s10, $0x1;
	s10 =	sld [smem:$0x3FA5]  }
0x3d: {  	_ =	shalt  }
0x3e: {  	_ =	shalt  }
0x3f: {  	_ =	shalt  }
0x40: {  	_ =	shalt  }
0x41: {  	_ =	shalt  }
0x42: {  	_ =	shalt  }
0x43: {  	_ =	shalt  }
0x44: {  	_ =	shalt  }
0x45: {  	_ =	shalt  }
0x46: {  	_ =	shalt  }
0x47: {  	_ =	shalt  }
0x48: {  	_ =	shalt  }
0x49: {  	_ =	shalt  }
0x4a: {  	_ =	shalt  }
0x4b: {  	_ =	shalt  }
0x4c: {  	_ =	shalt  }
0x4d: {  	_ =	shalt  }
0x4e: {  	_ =	shalt  }
0x4f: {  	_ =	shalt  }
0x50: {  	_ =	shalt  }
0x51: {  	_ =	shalt  }
0x52: {  	_ =	shalt  }
0x53: {  	_ =	shalt  }
0x54: {  	_ =	shalt  }
0x55: {  	_ =	shalt  }
0x56: {  	_ =	shalt  }
0x57: {  	_ =	shalt  }
0x58: {  	_ =	shalt  }
0x59: {  	_ =	shalt  }
0x5a: {  	_ =	shalt  }
0x5b: {  	_ =	shalt  }
0x5c: {  	_ =	shalt  }
0x5d: {  	_ =	shalt  }
0x5e: {  	_ =	shalt  }
0x5f: {  	_ =	shalt  }
0x60: {  	_ =	shalt  }
0x61: {  	_ =	shalt  }
0x62: {  	_ =	shalt  }
0x63: {  	_ =	shalt  }
0x64: {  	_ =	shalt  }
0x65: {  	_ =	shalt  }
0x66: {  	_ =	shalt  }
0x67: {  	_ =	shalt  }
0x68: {  	_ =	shalt  }
0x69: {  	_ =	shalt  }
0x6a: {  	_ =	shalt  }
0x6b: {  	_ =	shalt  }
0x6c: {  	_ =	shalt  }
0x6d: {  	_ =	shalt  }
0x6e: {  	_ =	shalt  }
0x6f: {  	_ =	shalt  }
0x70: {  	_ =	shalt  }
0x71: {  	_ =	shalt  }
0x72: {  	_ =	shalt  }
0x73: {  	_ =	shalt  }
0x74: {  	_ =	shalt  }
0x75: {  	_ =	shalt  }
0x76: {  	_ =	shalt  }
0x77: {  	_ =	shalt  }
0x78: {  	_ =	shalt  }
0x79: {  	_ =	shalt  }
0x7a: {  	_ =	shalt  }
0x7b: {  	_ =	shalt  }
0x7c: {  	_ =	shalt  }
0x7d: {  	_ =	shalt  }
0x7e: {  	_ =	shalt  }
0x7f: {  	_ =	shalt  }
0x80: {  	_ =	shalt  }
0x81: {  	_ =	shalt  }
0x82: {  	_ =	shalt  }
0x83: {  	_ =	shalt  }
0x84: {  	_ =	shalt  }
0x85: {  	_ =	shalt  }
0x86: {  	_ =	shalt  }
0x87: {  	_ =	shalt  }
.Lfunc_end0:
.L_simem_size_0:
called_computation.2_lowered:
.L_overlay_start_0:
0x88: {  	s2 =	sld [smem:$0x3FD9]  }
0x89: {  	s3 =	sld [smem:$0x3FFE];
	_ =	sdelay $0x1  }
0x8a: {  	s1 =	srdreg.scid  }
0x8b: {  	s0 =	sand.u32 $0x1, s1  }
0x8c: {  	s16 =	sshll.u32 s0, $0xA;
	s2 =	sadd.s32 s3, s2  }
0x8d: {  	s2 =	sadd.s32 s2, s16  }
0x8e: {  	[smem:$0x3FB1] =	sst s2  }
0x8f: {  	_ = 	snop  }
0x90: {  	(tm) =	ssettm $0x1  }
0x91: {  	s17 =	sld [smem:$0x3FFB];
	_ =	sdelay $0x3  }
0x92: {  	_ =	strace s17  }
0x93: {  	s2 =	sld [smem:$0x3FFC];
	_ =	sdelay $0x3  }
0x94: {  	_ =	strace s2  }
0x95: {  	s2 =	sld [smem:$0x3FFD];
	_ =	sdelay $0x3  }
0x96: {  	_ =	strace s2  }
0x97: {  	_ =	strace $0x8FFFFFFF  }
0x98: {  	s18 =	sld [smem:$0x3FDB];
	_ =	sdelay $0x1  }
0x99: {  	s19 =	simm.s32 $_scs_section_size  }
0x9a: {  	s4 =	simm.s32 $_size__tile_overlayer_lowered;
	s5 =	simm.s32 $_tile_overlayer_lowered  }
0x9b: {  	s22 =	simm.s32 $0x1BFF;
	s21 =	sshll.u32 s5, $0x1;
	s2 =	sadd.s32 s19, s18  }
0x9c: {  	s6 =	simm.s32 $0x0;
	s20 =	sshll.u32 s4, $0x1;
	s4 =	sadd.s32 s21, s2  }
0x9d: {  	[timem:s6], [sflag:s22] =	dma.local [hbm:s4], s20  }
0x9e: {  	_ =	swait.ge [sflag:s22], s20  }
0x9f: {  	s3 =	ssub.s32 $0x0, s20;
	[sflag:s22] =	ssyncset.done $0x0  }
0xa0: {  	[sflag:s22] =	ssyncadd.s32 s3;
	_ =	sdelay $0x1  }
0xa1: {  	s23 =	simm.s32 $0x1B8B  }
0xa2: {  	_ =	swait.ge [sflag:s23], $0x1  }
0xa3: {  	[sflag:s23] =	ssyncset.done $0x0  }
0xa4: {  	s25 =	simm.s32 $0x1B8E;
	s24 =	sld [smem:$0x3FFE];
	[sflag:s23] =	ssyncadd.s32 $0xFFFFFFFF  }
0xa5: {  	s26 =	simm.s32 $execute0_lowered;
	[smem:$0x3FD2] =	sst s25  }
0xa6: {  	s4 =	sshll.u32 s26, $0x1;
	_ =	strace $0x8000004C;
	[dreg:$0x1] =	wrdreg $0xFFFFFFFF  }
0xa7: {  	s28 =	simm.s32 $_size_execute0_lowered;
	s2 =	sadd.s32 s2, s4;
	[dreg:$0x0] =	wrdreg $0x0  }
0xa8: {  	s4 =	sshll.u32 s28, $0x1;
	[dreg:$0x2] =	wrdreg s2  }
0xa9: {  	[dreg:$0x3] =	wrdreg s4  }
0xaa: {  	[dreg:$0x4] =	wrdreg $0xC0  }
0xab: {  	_ =	task [dreg:s6], $0x5FFFF  }
0xac: {  	[dreg:$0x1] =	wrdreg $0xFFFFFFFF  }
0xad: {  	[dreg:$0x0] =	wrdreg $0x60  }
0xae: {  	[dreg:$0x2] =	wrdreg s24  }
0xaf: {  	[dreg:$0x3] =	wrdreg $0x0  }
0xb0: {  	[dreg:$0x4] =	wrdreg $0x9  }
0xb1: {  	_ =	task.clear_ibuf [dreg:s6], $0x5FFFF;
	_ =	strace $0x9000004C  }
0xb2: {  	s29 =	simm.s32 $0x9;
	_ =	strace $0x8000004E  }
0xb3: {  	_ =	swait.ge [sflag:s29], $0x1  }
0xb4: {  	[sflag:s29] =	ssyncadd.s32 $0xFFFFFFFF  }
0xb5: {  	_ =	strace $0x9000004E  }
0xb6: {  	_ =	sfence  }
0xb7: {  	s30 =	sld [smem:$0x0];
	_ =	sdelay $0x2  }
0xb8: {  	s31 =	sshll.u32 s1, $0xD;
	s1 =	sshrl.u32 s1, $0x2  }
0xb9: {  	s3 =	sand.u32 $0x4000, s31;
	s1 =	sadd.s32 s1, s30  }
0xba: {  	s0 =	sor.u32 s3, s0;
	s1 =	sshll.u32 s1, $0x11  }
0xbb: {  	s0 =	sor.u32 s1, s0  }
0xbc: {  	s0 =	sadd.s32 $0x8F2B, s0  }
0xbd: {  	[sflag:s0] =	ssyncadd.remote.s32 $0x1  }
0xbe: {  	_ =	sfence.sel $0xFFFF  }
0xbf: {  	[dreg:$0x0] =	wrdreg $0xFFFFFFFF;
	(pc) =	sbr.abs _section_cstart, $3  }
0xc0: {  	[dreg:$0x1] =	wrdreg $0xFFFFFFFF  }
0xc1: {  	_ =	task.clear_ibuf [dreg:s6], $0x2FFFF;
	_ =	strace $0x9FFFFFFF  }
0xc2: {  	(tm) =	ssettm $0x7FFFFFFF  }
0xc3: {  	_ =	shalt  }
tec
execute0_lowered:
.L_overlay_start_1:
0x0: {  	(tag) =	ssettag $0x1  }
0x1: {  	s6 =	rddreg [dreg:$0x0]  }
0x2: {  	s2 =	rddreg [dreg:$0x1];
	s3 =	srdreg.scid  }
0x3: {  	s0 =	rddreg [dreg:$0x2];
	s1 =	stileid.u32  }
0x4: {  	s7 =	sand.u32 $0x1, s3;
	s3 =	simm.s32 $0x0;
	s29 =	smul.u32 $0x14000, s1  }
0x5: {  	s5 =	sshll.u32 s1, $0x7;
	s30 =	smul.u32 $0x50000, s1;
	s11 =	sshll.u32 s1, $0x6  }
0x6: {  	s4 =	smul.u32 $0x4E400, s7;
	[smem:$0x7FF] =	sst s3;
	s8 =	sand.u32 $0x400, s5  }
0x7: {  	s9 =	smul.u32 $0x140000, s7;
	s5 =	sand.u32 $0x380, s5;
	s31 =	ssub.s32 $0x2, s7  }
0x8: {  	_ =	strace $0x8000004D;
	s7 =	sshrl.u32 s31, $0x1;
	s4 =	sadd.s32 s8, s4  }
0x9: {  	s8 =	sadd.s32 s29, s9;
	s9 =	sshrl.u32 s30, $0x2;
	s12 =	ssub.s32 s31, s7  }
0xa: {  	s5 =	sor.u32 s5, s4;
	s4 =	sadd.s32 $0xCF400, s6;
	s8 =	sshrl.u32 s8, $0x3  }
0xb: {  	s13 =	sadd.s32 s9, s2;
	s5 =	sshrl.u32 s5, $0x3;
	s8 =	sadd.s32 s8, s6  }
0xc: {  	s10 =	sadd.s32 s5, s6;
	s5 =	sadd.s32 $0x2E800, s6;
	s6 =	sor.u32 $0x1C02, s11  }
0xd: {  	s7 =	sadd.s32 $0x31000, s8;
	s8 =	smax.u32 s12, $0x1;
	s11 =	sshrl.u32 s13, $0x3  }
0xe: {  	s12 =	simm.s32 $0x2;
	s9 =	sadd.s32 $0x7400, s10;
	s10 =	sadd.s32 $0x1AE00, s10  }
.LBB2_1:
0xf: {  	[spmem:s11], [sflag:s6] =	dma.local [hbm:s5], $0x2800  }
0x10: {  	_ =	swait.ge [sflag:s12], $0x2800  }
0x11: {  	p0 =	sgt.u32 s1, $0x9C3;
	[sflag:s12] =	ssyncset.done $0x0  }
0x12: {  	s13 =	sadd.s32 @!p0 $0x0, s10;
	s14 =	simm.s32 @!p0 $0x0;
	[sflag:s12] =	ssyncadd.s32 $0xFFFFD800  }
0x13: {  	s15 =	simm.s32 @!p0 $0x14000;
	s16 =	simm.s32 @!p0 $0x3;
	[bflag:$0x0] =	sbarrier.arrive $0xFFFF  }
0x14: {  	[tilespmem:s15], [sflag:$0x3] =	stream.linear.gather @!p0 [hbm4b:s13+s14], $0x80, $0x38;
	[tilespmem:$0x18100] =	vst v63  }
0x15: {  	_ =	swait.ge @!p0 [sflag:s16], $0x80  }
0x16: {  	[sflag:s16] =	ssyncset.done @!p0 $0x0  }
0x17: {  	s17 =	simm.s32 @!p0 $0x14080;
	s13 =	sadd.s32 @!p0 $0x0, s9;
	[sflag:s16] =	ssyncadd.s32 @!p0 $0xFFFFFF80  }
0x18: {  	[tilespmem:s17], [sflag:$0x3] =	stream.linear.gather @!p0 [hbm4b:s13+s14], $0x80, $0x38;
	[tilespmem:$0x18100] =	vst v63  }
0x19: {  	_ =	swait.ge @!p0 [sflag:s16], $0x80;
	p0 =	por p0, p0  }
0x1a: {  	[sflag:s16] =	ssyncset.done @!p0 $0x0;
	s13 =	simm.s32 @!p0 $0x80  }
0x1b: {  	s14 =	simm.s32 @!p0 $0x14100;
	[sflag:s16] =	ssyncadd.s32 @!p0 $0xFFFFFF80;
	s16 =	simm.s32 @!p0 $0x1  }
0x1c: {  	[tilespmem:s14], [sflag:$0x1] =	stream.indirect.gather @!p0 [hbm4b:s4+s13], $0x80, s17, s13, $0xb8;
	[tilespmem:$0x18100] =	vst v63  }
0x1d: {  	_ =	swait.ge @!p0 [sflag:s16], $0x4000  }
0x1e: {  	[sflag:s16] =	ssyncset.done @!p0 $0x0  }
0x1f: {  	[sflag:s16] =	ssyncadd.s32 @!p0 $0xFFFFC000  }
0x20: {  	[spmem:s2] =	stream.indirect.scatter.add.f32 @!p0 [tilespmem:s14], [sflag:$0x2], $0x80, s15, s13, $0xb8;
	[tilespmem:$0x18100] =	vst v63  }
0x21: {  	s16 =	simm.s32 @!p0 $0x2;
	s13 =	simm.s32 $0x100;
	s14 =	sadd.s32 $0x10, s1  }
0x22: {  	s15 =	simm.s32 $0x200;
	p1 =	sgt.u32 s14, $0x9C3;
	_ =	swait.ge @!p0 [sflag:s16], $0x4000  }
.LBB2_2:
0x23: {  	s17 =	sadd.s32 @!p1 s13, s10;
	s18 =	simm.s32 @!p1 $0x0;
	[sflag:s16] =	ssyncset.done @!p0 $0x0  }
0x24: {  	s19 =	simm.s32 @!p1 $0x14000;
	s20 =	simm.s32 @!p1 $0x3;
	[sflag:s16] =	ssyncadd.s32 @!p0 $0xFFFFC000  }
0x25: {  	[tilespmem:s19], [sflag:$0x3] =	stream.linear.gather @!p1 [hbm4b:s17+s18], $0x80, $0x38;
	[tilespmem:$0x18100] =	vst v63  }
0x26: {  	s16 =	smov.u32 s15;
	s15 =	sadd.s32 $0x100, s15;
	_ =	swait.ge @!p1 [sflag:s20], $0x80  }
0x27: {  	s21 =	simm.s32 @!p1 $0x14080;
	s17 =	sadd.s32 @!p1 s13, s9;
	[sflag:s20] =	ssyncset.done @!p1 $0x0  }
0x28: {  	p2 =	sne.s32 s15, $0x9D00;
	s13 =	smov.u32 s16;
	[sflag:s20] =	ssyncadd.s32 @!p1 $0xFFFFFF80  }
0x29: {  	[tilespmem:s21], [sflag:$0x3] =	stream.linear.gather @!p1 [hbm4b:s17+s18], $0x80, $0x38;
	[tilespmem:$0x18100] =	vst v63  }
0x2a: {  	p0 =	por p1, p1;
	_ =	swait.ge @!p1 [sflag:s20], $0x80  }
0x2b: {  	s17 =	simm.s32 @!p0 $0x80;
	s18 =	simm.s32 @!p0 $0x14100;
	[sflag:s20] =	ssyncset.done @!p0 $0x0  }
0x2c: {  	s16 =	simm.s32 @!p0 $0x1;
	[sflag:s20] =	ssyncadd.s32 @!p0 $0xFFFFFF80  }
0x2d: {  	[tilespmem:s18], [sflag:$0x1] =	stream.indirect.gather @!p0 [hbm4b:s4+s17], $0x80, s21, s17, $0xb8;
	[tilespmem:$0x18100] =	vst v63  }
.Ltmp0:
0x2e: {  	_ =	swait.ge @!p0 [sflag:s16], $0x4000;
	(pc) =	sbr.rel @p2 .LBB2_2-.Ltmp0, $4  }
0x2f: {  	[sflag:s16] =	ssyncset.done @!p0 $0x0  }
0x30: {  	s14 =	sadd.s32 $0x10, s14;
	[sflag:s16] =	ssyncadd.s32 @!p0 $0xFFFFC000;
	s16 =	simm.s32 @!p0 $0x2  }
0x31: {  	[spmem:s2] =	stream.indirect.scatter.add.f32 @!p0 [tilespmem:s18], [sflag:$0x2], $0x80, s19, s17, $0xb8;
	[tilespmem:$0x18100] =	vst v63  }
0x32: {  	p1 =	sgt.u32 s14, $0x9C3;
	_ =	swait.ge @!p0 [sflag:s16], $0x4000  }
0x33: {  	s14 =	sadd.s32 @!p1 s13, s10;
	s15 =	simm.s32 @!p1 $0x0;
	[sflag:s16] =	ssyncset.done @!p0 $0x0  }
0x34: {  	s17 =	simm.s32 @!p1 $0x14000;
	s18 =	simm.s32 @!p1 $0x3;
	[sflag:s16] =	ssyncadd.s32 @!p0 $0xFFFFC000  }
0x35: {  	[tilespmem:s17], [sflag:$0x3] =	stream.linear.gather @!p1 [hbm4b:s14+s15], $0x80, $0x38;
	[tilespmem:$0x18100] =	vst v63  }
0x36: {  	_ =	swait.ge @!p1 [sflag:s18], $0x80  }
0x37: {  	[sflag:s18] =	ssyncset.done @!p1 $0x0  }
0x38: {  	s13 =	sadd.s32 @!p1 s13, s9;
	s14 =	simm.s32 @!p1 $0x14080;
	[sflag:s18] =	ssyncadd.s32 @!p1 $0xFFFFFF80  }
0x39: {  	[tilespmem:s14], [sflag:$0x3] =	stream.linear.gather @!p1 [hbm4b:s13+s15], $0x80, $0x38;
	[tilespmem:$0x18100] =	vst v63  }
0x3a: {  	p0 =	por p1, p1;
	_ =	swait.ge @!p1 [sflag:s18], $0x80  }
0x3b: {  	s16 =	simm.s32 @!p0 $0x1;
	[sflag:s18] =	ssyncset.done @!p0 $0x0  }
0x3c: {  	s13 =	simm.s32 @!p0 $0x80;
	s15 =	simm.s32 @!p0 $0x14100;
	[sflag:s18] =	ssyncadd.s32 @!p0 $0xFFFFFF80  }
0x3d: {  	[tilespmem:s15], [sflag:$0x1] =	stream.indirect.gather @!p0 [hbm4b:s4+s13], $0x80, s14, s13, $0xb8;
	[tilespmem:$0x18100] =	vst v63  }
0x3e: {  	_ =	swait.ge @!p0 [sflag:s16], $0x4000  }
0x3f: {  	[sflag:s16] =	ssyncset.done @!p0 $0x0  }
0x40: {  	s14 =	simm.s32 @!p0 $0x2;
	[sflag:s16] =	ssyncadd.s32 @!p0 $0xFFFFC000  }
0x41: {  	[spmem:s2] =	stream.indirect.scatter.add.f32 @!p0 [tilespmem:s15], [sflag:$0x2], $0x80, s17, s13, $0xb8;
	[tilespmem:$0x18100] =	vst v63  }
0x42: {  	_ =	swait.ge @!p0 [sflag:s14], $0x4000  }
0x43: {  	s3 =	sadd.s32 $0x1, s3;
	[sflag:s14] =	ssyncset.done @!p0 $0x0  }
0x44: {  	[sflag:s14] =	ssyncadd.s32 @!p0 $0xFFFFC000;
	p0 =	sne.s32 s3, s8  }
.Ltmp1:
0x45: {  	[bflag:$0x0] =	sbarrier.arrive $0xFFFF;
	(pc) =	sbr.rel @p0 .LBB2_1-.Ltmp1, $4  }
0x46: {  	[hbm:s7], [sflag:s6] =	dma.local [spmem:s11], $0x2800  }
0x47: {  	_ =	swait.ge [sflag:s12], $0x2800  }
0x48: {  	[sflag:s12] =	ssyncset.done $0x0  }
0x49: {  	[sflag:s12] =	ssyncadd.s32 $0xFFFFD800  }
0x4a: {  	_ =	sfence.sel $0x180000  }
0x4b: {  	[bflag:$0x0] =	sbarrier.arrive $0xFFFF  }
0x4c: {  	p0 =	sne.s32 s1, $0x0;
	_ =	strace $0x9000004D  }
0x4d: {  	s0 =	sadd.s32 @!p0 $0x100000, s0;
	[bflag:$0x2] =	sbarrier.arrive $0xFFFF  }
0x4e: {  	[sflag:s0] =	ssyncadd.tile.s32 @!p0 $0x1;
	_ =	shalt  }
.Lfunc_end2:
_tile_overlayer_lowered:
.L_overlay_start_2:
0x4f: {  	(tag) =	ssettag $0x2  }
0x50: {  	s0 =	rddreg [dreg:$0x0];
	s2 =	stileid.u32  }
0x51: {  	s1 =	rddreg [dreg:$0x1];
	p0 =	sne.s32 s2, $0x0  }
0x52: {  	s3 =	rddreg [dreg:$0x2];
	[bflag:$0x3] =	sbarrier.arrive $0xFFFF;
	s2 =	simm.s32 @!p0 $0x1C02  }
0x53: {  	[timem:s3], [sflag:s2] =	dma.local @!p0 [hbm:s0], s1  }
0x54: {  	s0 =	simm.s32 @!p0 $0x2  }
0x55: {  	_ =	swait.ge @!p0 [sflag:s0], s1  }
0x56: {  	s1 =	ssub.s32 @!p0 $0x0, s1;
	[sflag:s0] =	ssyncset.done @!p0 $0x0  }
0x57: {  	[sflag:s0] =	ssyncadd.s32 @!p0 s1  }
0x58: {  	[bflag:$0x3] =	sbarrier.arrive $0xFFFF  }
0x59: {  	_ =	shalt  }

</sc_bundles>
